<compile_context>
chip_gen: v7x
topology: tpu7x:2x2x1
jax: 0.10.2.dev20260603
libtpu: 0.0.44.dev20260713+nightly
codegen_flags: <defaults>
</compile_context>

<pallas_src>
import functools

import jax
import jax.numpy as jnp
from jax import lax
from jax.experimental import pallas as pl
from jax.experimental.pallas import tpu as pltpu
from jax.experimental.pallas import tpu_sc as plsc

N = 100000
K = 16
E = N * K
H = 16
EPS = 1e-8

NC = 2
NS = 16
NW = NC * NS
BPW = E // NW
CH = 5000
NCHUNK = BPW // CH


def _gather_body(table_hbm, idx_hbm, out_hbm, idx_v, rows_v, sem):
    wid = lax.axis_index("s") * NC + lax.axis_index("c")
    base = wid * BPW

    def body(i, carry):
        start = pl.multiple_of(base + i * CH, 8)
        pltpu.sync_copy(idx_hbm.at[pl.ds(start, CH)], idx_v)
        pltpu.async_copy(table_hbm.at[idx_v], rows_v, sem).wait()
        pltpu.sync_copy(rows_v, out_hbm.at[pl.ds(start, CH)])
        return carry

    lax.fori_loop(0, NCHUNK, body, 0)


def _sc_gather(table, col):
    fn = pl.kernel(
        _gather_body,
        out_type=jax.ShapeDtypeStruct((E, 8), jnp.float32),
        mesh=plsc.VectorSubcoreMesh(core_axis_name="c", subcore_axis_name="s"),
        scratch_types=[
            pltpu.VMEM((CH,), jnp.int32),
            pltpu.VMEM((CH, 8), jnp.float32),
            pltpu.SemaphoreType.DMA,
        ],
        compiler_params=pltpu.CompilerParams(use_tc_tiling_on_sc=False),
    )
    return fn(table, col)

B = 160
EB = B * K
NB = N // B
SWEEPS = 3

_PERM = (0, 2, 3, 1)
_PERM16 = tuple(4 * _PERM[i] + _PERM[j] for i in range(4) for j in range(4))


def _rows(x, i, n=1):
    return lax.slice_in_dim(x, i, i + n, axis=0)


def _jacobi_eigh(c00, c11, c22, c01, c02, c12, nb):
    f32 = jnp.float32
    zr = jnp.zeros_like(c00)
    W = jnp.concatenate([c00, c01, c02, zr,
                         c01, c11, c12, zr,
                         c02, c12, c22, zr,
                         zr, zr, zr, zr], axis=0)
    s16 = lax.broadcasted_iota(jnp.int32, (16, nb), 0)
    V = jnp.where(s16 % 5 == 0, 1.0, 0.0).astype(f32)
    jmask = (s16 % 4) < 2

    def bc4(x):
        return jnp.broadcast_to(x, (4, nb))

    for _ in range(SWEEPS * 3):
        a = jnp.concatenate([_rows(W, 0), _rows(W, 5)], axis=0)
        dd = jnp.concatenate([_rows(W, 10), _rows(W, 15)], axis=0)
        b = jnp.concatenate([_rows(W, 2), _rows(W, 7)], axis=0)
        bz = b == 0.0
        bs = jnp.where(bz, 1.0, b)
        tau = (dd - a) / (2.0 * bs)
        t = jnp.sign(tau) / (jnp.abs(tau) + jnp.sqrt(1.0 + tau * tau))
        t = jnp.where(bz, 0.0, t)
        c = 1.0 / jnp.sqrt(1.0 + t * t)
        s = t * c
        c0, c1 = _rows(c, 0), _rows(c, 1)
        s0, s1 = _rows(s, 0), _rows(s, 1)
        ctop = jnp.concatenate([bc4(c0), bc4(c1)], axis=0)
        stop = jnp.concatenate([bc4(s0), bc4(s1)], axis=0)
        cpair = jnp.concatenate([c0, c1], axis=0)
        spair = jnp.concatenate([s0, s1], axis=0)
        ccol = jnp.concatenate([cpair] * 8, axis=0)
        scol = jnp.concatenate([spair] * 8, axis=0)

        Wt = lax.slice_in_dim(W, 0, 8, axis=0)
        Wb = lax.slice_in_dim(W, 8, 16, axis=0)
        X = jnp.concatenate([ctop * Wt - stop * Wb,
                             stop * Wt + ctop * Wb], axis=0)
        Xm2 = jnp.roll(X, -2, axis=0)
        Xp2 = jnp.roll(X, 2, axis=0)
        Wn = jnp.where(jmask, ccol * X - scol * Xm2,
                       ccol * X + scol * Xp2)
        Vt = lax.slice_in_dim(V, 0, 8, axis=0)
        Vb = lax.slice_in_dim(V, 8, 16, axis=0)
        Vn = jnp.concatenate([ctop * Vt - stop * Vb,
                              stop * Vt + ctop * Vb], axis=0)
        W = jnp.concatenate([_rows(Wn, i) for i in _PERM16], axis=0)
        V = jnp.concatenate([lax.slice_in_dim(Vn, 4 * p, 4 * p + 4, axis=0)
                             for p in _PERM], axis=0)

    l0, l1, l2 = _rows(W, 0), _rows(W, 5), _rows(W, 10)
    v0 = lax.slice_in_dim(V, 0, 3, axis=0)
    v1 = lax.slice_in_dim(V, 4, 7, axis=0)
    v2 = lax.slice_in_dim(V, 8, 11, axis=0)

    def cswap(lA, vA, lB, vB):
        sw = lB < lA
        return (jnp.where(sw, lB, lA), jnp.where(sw, vB, vA),
                jnp.where(sw, lA, lB), jnp.where(sw, vA, vB))

    l0, v0, l1, v1 = cswap(l0, v0, l1, v1)
    l1, v1, l2, v2 = cswap(l1, v1, l2, v2)
    l0, v0, l1, v1 = cswap(l0, v0, l1, v1)
    return l0, l1, l2, v0, v1, v2


def _tc_body(gz_ref, node_ref, oldw_ref, std_ref, wf1_ref, bf1_ref, wf2_ref,
             bf2_ref, wg1_ref, bg1_ref, wg2_ref, bg2_ref, noise_ref,
             a_ref, at_ref, outn_ref, outw_ref):
    f32 = jnp.float32
    dot = functools.partial(jnp.dot, preferred_element_type=f32,
                            precision=lax.Precision.HIGHEST)
    dot_mlp = functools.partial(jnp.dot, preferred_element_type=f32)

    gz = gz_ref[...]
    gT = gz.T
    pj = lax.slice_in_dim(gT, 0, 3, axis=0)
    nj = lax.slice_in_dim(gT, 3, 6, axis=0)

    pn = node_ref[0]
    A = a_ref[...]
    AT = at_ref[...]

    pie = dot(pn, AT)
    pi = lax.slice_in_dim(pie, 0, 3, axis=0)
    ni = lax.slice_in_dim(pie, 3, 6, axis=0)

    std = std_ref[...]
    oldw = oldw_ref[0]
    d = pj - pi
    dist = jnp.sqrt(jnp.sum(d * d, axis=0, keepdims=True) + EPS)
    feats = jnp.concatenate([
        d / std,
        dist / std,
        jnp.sum(ni * d, axis=0, keepdims=True) / std,
        jnp.sum(ni * nj, axis=0, keepdims=True),
        oldw,
        jnp.zeros_like(oldw),
    ], axis=0)

    h = jnp.maximum(dot_mlp(wf1_ref[...], feats) + bf1_ref[...], 0.0)
    h = jnp.maximum(dot_mlp(wf2_ref[...], h) + bf2_ref[...], 0.0)

    cat1 = jnp.concatenate([oldw, h * oldw], axis=0)
    agg1 = dot(cat1, A)
    wsum = _rows(agg1, 0)
    node = lax.slice_in_dim(agg1, 1, 17, axis=0) / (wsum + EPS)
    node_e = dot(node, AT)

    g = jnp.concatenate(
        [h, node_e, oldw, jnp.zeros((7, EB), f32)], axis=0)
    g1 = jnp.maximum(dot_mlp(wg1_ref[...], g) + bg1_ref[...], 0.0)
    wt = jax.nn.sigmoid(dot_mlp(wg2_ref[...], g1) + bg2_ref[...])
    outw_ref[0] = wt

    cat2 = jnp.concatenate([wt, wt * pj], axis=0)
    agg2 = dot(cat2, A)
    wsum2 = _rows(agg2, 0) + EPS
    mu = lax.slice_in_dim(agg2, 1, 4, axis=0) / wsum2
    mu_e = dot(mu, AT)
    df = pj - mu_e
    dfb = df.astype(jnp.bfloat16).astype(f32)
    wdb = (wt * df).astype(jnp.bfloat16).astype(f32)
    bx, by, bz = _rows(dfb, 0), _rows(dfb, 1), _rows(dfb, 2)
    wx, wy, wz = _rows(wdb, 0), _rows(wdb, 1), _rows(wdb, 2)
    prods = jnp.concatenate(
        [wx * bx, wy * by, wz * bz,
         0.5 * (wx * by + wy * bx),
         0.5 * (wx * bz + wz * bx),
         0.5 * (wy * bz + wz * by)], axis=0)
    cov6 = dot(prods, A) / wsum2
    cov6 = cov6 + lax.slice_in_dim(noise_ref[...], 0, 6, axis=0)
    c00, c11, c22 = _rows(cov6, 0), _rows(cov6, 1), _rows(cov6, 2)
    c01, c02, c12 = _rows(cov6, 3), _rows(cov6, 4), _rows(cov6, 5)

    l0, l1, l2, v0, v1, v2 = _jacobi_eigh(c00, c11, c22, c01, c02, c12, B)
    a0, a1, a2 = jnp.abs(l0), jnp.abs(l1), jnp.abs(l2)
    cand = jnp.where(a0 <= a1, v0, v1)
    canda = jnp.minimum(a0, a1)
    out = jnp.where(canda <= a2, cand, v2)
    outn_ref[0] = jnp.concatenate([out, jnp.zeros((5, B), f32)], axis=0)


def _tc_call(gathered, node3, oldw3, std2, wf1T, bf1c, wf2T, bf2c, wg1T,
             bg1c, wg2T, bg2c, noise8, A, AT):
    full = lambda shape: pl.BlockSpec(shape, lambda b: tuple(0 for _ in shape))
    outn, outw = pl.pallas_call(
        _tc_body,
        grid=(NB,),
        in_specs=[
            pl.BlockSpec((EB, 8), lambda b: (b, 0)),
            pl.BlockSpec((1, 8, B), lambda b: (b, 0, 0)),
            pl.BlockSpec((1, 1, EB), lambda b: (b, 0, 0)),
            full((1, 1)),
            full((16, 8)), full((16, 1)),
            full((16, 16)), full((16, 1)),
            full((16, 40)), full((16, 1)),
            full((1, 16)), full((1, 1)),
            full((8, 1)),
            full((EB, B)), full((B, EB)),
        ],
        out_specs=[
            pl.BlockSpec((1, 8, B), lambda b: (b, 0, 0)),
            pl.BlockSpec((1, 1, EB), lambda b: (b, 0, 0)),
        ],
        out_shape=[
            jax.ShapeDtypeStruct((NB, 8, B), jnp.float32),
            jax.ShapeDtypeStruct((NB, 1, EB), jnp.float32),
        ],
        compiler_params=pltpu.CompilerParams(
            dimension_semantics=("arbitrary",)),
    )(gathered, node3, oldw3, std2, wf1T, bf1c, wf2T, bf2c, wg1T, bg1c,
      wg2T, bg2c, noise8, A, AT)
    return outn, outw


def kernel(old_weights, pos, batch, normals, edge_idx_l, dense_l, stddev,
           Wf1, bf1, Wf2, bf2, Wg1, bg1, Wg2, bg2):
    f32 = jnp.float32
    col = edge_idx_l[1]
    table = jnp.concatenate([pos, normals, jnp.zeros((N, 2), f32)], axis=1)
    gathered = _sc_gather(table, col)

    node3 = table.T.reshape(8, NB, B).transpose(1, 0, 2)
    oldw3 = old_weights.reshape(NB, 1, EB)
    std2 = stddev.reshape(1, 1)

    wf1T = jnp.concatenate([Wf1.T, jnp.zeros((H, 1), f32)], axis=1)
    wf2T = Wf2.T
    wg1T = jnp.concatenate([Wg1.T, jnp.zeros((H, 7), f32)], axis=1)
    wg2T = Wg2.T
    bf1c = bf1.reshape(H, 1)
    bf2c = bf2.reshape(H, 1)
    bg1c = bg1.reshape(H, 1)
    bg2c = bg2.reshape(1, 1)

    dg = jnp.diagonal(
        (jax.random.uniform(jax.random.key(1), (100, 3), dtype=f32) - 0.5)
        * 1e-8)
    d0, d1, d2 = dg[0], dg[1], dg[2]
    noise8 = jnp.stack([d0, d1, d2, (d0 + d1) / 2, (d0 + d2) / 2,
                        (d1 + d2) / 2, 0.0, 0.0]).astype(f32).reshape(8, 1)

    eidx = jnp.arange(EB, dtype=jnp.int32)
    A = (eidx[:, None] // K == jnp.arange(B, dtype=jnp.int32)[None, :])
    A = A.astype(f32)
    AT = A.T

    outn, outw = _tc_call(gathered, node3, oldw3, std2, wf1T, bf1c, wf2T,
                          bf2c, wg1T, bg1c, wg2T, bg2c, noise8, A, AT)
    out_normals = outn.transpose(0, 2, 1).reshape(N, 8)[:, :3]
    weights = outw.reshape(E)
    return out_normals, weights

# --- scband reference (transcript-rebuilt; emitter-appended) ---
"""Pipeline reference for scband-normal-estimation-72499047956657 (READ-ONLY COPY).

The authoritative reference and input builder live on the scoring server;
editing this copy changes nothing except your own understanding.
"""

import jax, jax.numpy as jnp
import numpy as np

N = 100000
K = 16
E = N * K
H = 16
EPS = 1e-8


def setup_inputs(seed: int = 0):
    key = jax.random.key(seed)
    ks = jax.random.split(key, 16)
    pos = jax.random.normal(ks[0], (N, 3), dtype=jnp.float32)
    normals = jax.random.normal(ks[1], (N, 3), dtype=jnp.float32)
    normals = normals / (jnp.linalg.norm(normals, axis=-1, keepdims=True) + EPS)
    old_weights = jax.random.uniform(ks[2], (E,), dtype=jnp.float32)
    batch = jnp.zeros((N,), dtype=jnp.int32)
    col = jax.random.randint(ks[3], (E,), 0, N, dtype=jnp.int32)
    row = jnp.repeat(jnp.arange(N, dtype=jnp.int32), K)
    edge_idx_l = jnp.stack([row, col], axis=0)
    dense_l = col.reshape(N, K)
    stddev = jnp.ones((1,), dtype=jnp.float32) * 0.05

    def lin(k, fan_in, fan_out):
        s = 1.0 / np.sqrt(fan_in)
        W = jax.random.uniform(k, (fan_in, fan_out), jnp.float32, -s, s)
        b = jnp.zeros((fan_out,), jnp.float32)
        return W, b

    Wf1, bf1 = lin(ks[4], 7, H)
    Wf2, bf2 = lin(ks[5], H, H)
    Wg1, bg1 = lin(ks[6], 2 * H + 1, H)
    Wg2, bg2 = lin(ks[7], H, 1)
    return {"old_weights": old_weights, "pos": pos, "batch": batch,
            "normals": normals, "edge_idx_l": edge_idx_l, "dense_l": dense_l,
            "stddev": stddev, "Wf1": Wf1, "bf1": bf1, "Wf2": Wf2, "bf2": bf2,
            "Wg1": Wg1, "bg1": bg1, "Wg2": Wg2, "bg2": bg2}


def _forward(old_weights, pos, normals, stddev, Wf1, bf1, Wf2, bf2, Wg1, bg1, Wg2, bg2, edge_idx_l, dense_l):
    row = edge_idx_l[0]
    col = edge_idx_l[1]
    pi = pos[row]
    pj = pos[col]
    ni = normals[row]
    nj = normals[col]
    d = pj - pi
    dist = jnp.sqrt(jnp.sum(d * d, axis=-1, keepdims=True) + EPS)
    # GNNFixedK step-weight network (message passing over fixed-k edges)
    feats = jnp.concatenate([
        d / stddev,
        dist / stddev,
        jnp.sum(ni * d, axis=-1, keepdims=True) / stddev,
        jnp.sum(ni * nj, axis=-1, keepdims=True),
        old_weights[:, None],
    ], axis=-1)
    h = jax.nn.relu(feats @ Wf1 + bf1)
    h = jax.nn.relu(h @ Wf2 + bf2)
    wsum = jax.ops.segment_sum(old_weights, row, num_segments=N)
    node = jax.ops.segment_sum(h * old_weights[:, None], row, num_segments=N)
    node = node / (wsum[:, None] + EPS)
    g = jnp.concatenate([h, node[row], old_weights[:, None]], axis=-1)
    g = jax.nn.relu(g @ Wg1 + bg1)
    weights = jax.nn.sigmoid((g @ Wg2 + bg2)[:, 0])
    # dropout(p=0.25) is identity in eval mode
    # weighted covariance matrices (dense fixed-k layout)
    w = weights.reshape(N, K)
    p = pos[dense_l]
    wsum2 = jnp.sum(w, axis=1, keepdims=True) + EPS
    mu = jnp.sum(w[:, :, None] * p, axis=1) / wsum2
    diff = p - mu[:, None, :]
    cov = jnp.einsum('nk,nki,nkj->nij', w, diff, diff) / wsum2[:, :, None]
    # torch.diag on a (100,3) matrix extracts its length-3 diagonal; broadcast-add
    noise = (jax.random.uniform(jax.random.key(1), (100, 3), dtype=jnp.float32) - 0.5) * 1e-8
    cov = cov + jnp.diagonal(noise)
    eig_val, eig_vec = jnp.linalg.eigh(cov)
    order = jnp.argsort(jnp.abs(eig_val), axis=-1)
    eig_vec = jnp.take_along_axis(eig_vec, order[:, None, :], axis=2)
    out_normals = eig_vec[:, :, 0]
    return out_normals, weights


def reference(old_weights, pos, batch, normals, edge_idx_l, dense_l, stddev, Wf1, bf1, Wf2, bf2, Wg1, bg1, Wg2, bg2):
    # batch is accepted but unused, matching the torch forward
    return _forward(old_weights, pos, normals, stddev, Wf1, bf1, Wf2, bf2, Wg1, bg1, Wg2, bg2, edge_idx_l, dense_l)

if __name__ == "__main__":
    import jax
    _d = setup_inputs()
    print(jax.jit(kernel)(*tuple(_d.values())))

</pallas_src>

<mosaic_0001>
#map = affine_map<(d0, d1) -> (0, 0)>
#map1 = affine_map<(d0, d1) -> (0)>
module attributes {stable_mosaic.version = 14 : i64} {
  func.func @_gather_body(%arg0: i32, %arg1: i32, %arg2: memref<100000x8xf32, #tpu.memory_space<hbm>>, %arg3: memref<1600000xi32, #tpu.memory_space<hbm>>, %arg4: memref<1600000x8xf32, #tpu.memory_space<hbm>>, %arg5: memref<5000xi32, #tpu.memory_space<vmem>>, %arg6: memref<5000x8xf32, #tpu.memory_space<vmem>>, %arg7: memref<!tpu.dma_semaphore, #tpu.memory_space<semaphore_mem>>) attributes {dimension_semantics = [#tpu.dimension_semantics<core_parallel>, #tpu.dimension_semantics<subcore_parallel>], iteration_bounds = array<i64: 2, 16>, scalar_prefetch = 0 : i64, scratch_operands = 3 : i64, tpu.core_type = #tpu.core_type<sc_vector_subcore>, window_params = [{transform_indices = #map}, {transform_indices = #map1}, {transform_indices = #map}]} {
    %mul3A = arith.constant 2 : i32
    %mul3A_0 = arith.muli %arg1, %mul3A : i32
    %add3A = arith.addi %mul3A_0, %arg0 : i32
    %mul3A_1 = arith.constant 50000 : i32
    %mul3A_2 = arith.muli %add3A, %mul3A_1 : i32
    %scan3A = arith.constant 0 : i32
    %scan3A_3 = arith.constant 0 : i32
    %scan3A_4 = arith.constant 10 : i32
    %scan3A_5 = arith.addi %scan3A_3, %scan3A_4 : i32
    %scan3A_6 = arith.constant 1 : i32
    scf.for %scan3A_8 = %scan3A_3 to %scan3A_5 step %scan3A_6  : i32 {
      %mul3A_9 = arith.constant 5000 : i32
      %mul3A_10 = arith.muli %scan3A_8, %mul3A_9 : i32
      %add3A_11 = arith.addi %mul3A_2, %mul3A_10 : i32
      %multiple_of3A = tpu.assume_multiple %add3A_11, 8 : i32
      "tpu.region"() ({
        %run_scoped3A = tpu.sem_alloc : memref<!tpu.dma_semaphore, #tpu.memory_space<semaphore_mem>>
        %dma_start3A_16 = tpu.memref_slice %arg3[%multiple_of3A] : memref<1600000xi32, #tpu.memory_space<hbm>> -> memref<5000xi32, #tpu.memory_space<hbm>>
        %dma_start3A_17 = tpu.memref_slice %arg3[%multiple_of3A] : memref<1600000xi32, #tpu.memory_space<hbm>> -> memref<5000xi32, #tpu.memory_space<hbm>>
        tpu.enqueue_dma source(%dma_start3A_17 : memref<5000xi32, #tpu.memory_space<hbm>>) target(%arg5 : memref<5000xi32, #tpu.memory_space<vmem>>) target_semaphore(%run_scoped3A : memref<!tpu.dma_semaphore, #tpu.memory_space<semaphore_mem>>)
        %dma_wait3A_18 = tpu.memref_slice %arg3[%multiple_of3A] : memref<1600000xi32, #tpu.memory_space<hbm>> -> memref<5000xi32, #tpu.memory_space<hbm>>
        %dma_wait3A_19 = tpu.memref_slice %arg3[%multiple_of3A] : memref<1600000xi32, #tpu.memory_space<hbm>> -> memref<5000xi32, #tpu.memory_space<hbm>>
        tpu.wait_dma2 semaphore(%run_scoped3A : memref<!tpu.dma_semaphore, #tpu.memory_space<semaphore_mem>>) src(%dma_wait3A_19 : memref<5000xi32, #tpu.memory_space<hbm>>) dst(%arg5 : memref<5000xi32, #tpu.memory_space<vmem>>)
        tpu.yield
      }) : () -> ()
      %dma_start3A = arith.constant 0 : i32
      %dma_start3A_12 = arith.constant 0 : i32
      %dma_start3A_13 = tpu.memref_slice %arg2[%dma_start3A, %dma_start3A_12] : memref<100000x8xf32, #tpu.memory_space<hbm>> -> memref<100000x8xf32, #tpu.memory_space<hbm>>
      tpu.enqueue_indirect_dma source(%dma_start3A_13 : memref<100000x8xf32, #tpu.memory_space<hbm>>) target(%arg6 : memref<5000x8xf32, #tpu.memory_space<vmem>>) offsets(%arg5 : memref<5000xi32, #tpu.memory_space<vmem>>) semaphore(%arg7 : memref<!tpu.dma_semaphore, #tpu.memory_space<semaphore_mem>>)
      %dma_wait3A = arith.constant 0 : i32
      %dma_wait3A_14 = arith.constant 0 : i32
      %dma_wait3A_15 = tpu.memref_slice %arg2[%dma_wait3A, %dma_wait3A_14] : memref<100000x8xf32, #tpu.memory_space<hbm>> -> memref<100000x8xf32, #tpu.memory_space<hbm>>
      tpu.wait_indirect_dma semaphore(%arg7 : memref<!tpu.dma_semaphore, #tpu.memory_space<semaphore_mem>>) src(%dma_wait3A_15 : memref<100000x8xf32, #tpu.memory_space<hbm>>) dst(%arg6 : memref<5000x8xf32, #tpu.memory_space<vmem>>)
      "tpu.region"() ({
        %run_scoped3A = tpu.sem_alloc : memref<!tpu.dma_semaphore, #tpu.memory_space<semaphore_mem>>
        %dma_start3A_16 = arith.constant 0 : i32
        %dma_start3A_17 = tpu.memref_slice %arg4[%multiple_of3A, %dma_start3A_16] : memref<1600000x8xf32, #tpu.memory_space<hbm>> -> memref<5000x8xf32, #tpu.memory_space<hbm>>
        %dma_start3A_18 = arith.constant 0 : i32
        %dma_start3A_19 = tpu.memref_slice %arg4[%multiple_of3A, %dma_start3A_18] : memref<1600000x8xf32, #tpu.memory_space<hbm>> -> memref<5000x8xf32, #tpu.memory_space<hbm>>
        tpu.enqueue_dma source(%arg6 : memref<5000x8xf32, #tpu.memory_space<vmem>>) target(%dma_start3A_19 : memref<5000x8xf32, #tpu.memory_space<hbm>>) target_semaphore(%run_scoped3A : memref<!tpu.dma_semaphore, #tpu.memory_space<semaphore_mem>>)
        %dma_wait3A_20 = arith.constant 0 : i32
        %dma_wait3A_21 = tpu.memref_slice %arg4[%multiple_of3A, %dma_wait3A_20] : memref<1600000x8xf32, #tpu.memory_space<hbm>> -> memref<5000x8xf32, #tpu.memory_space<hbm>>
        %dma_wait3A_22 = arith.constant 0 : i32
        %dma_wait3A_23 = tpu.memref_slice %arg4[%multiple_of3A, %dma_wait3A_22] : memref<1600000x8xf32, #tpu.memory_space<hbm>> -> memref<5000x8xf32, #tpu.memory_space<hbm>>
        tpu.wait_dma2 semaphore(%run_scoped3A : memref<!tpu.dma_semaphore, #tpu.memory_space<semaphore_mem>>) src(%arg6 : memref<5000x8xf32, #tpu.memory_space<vmem>>) dst(%dma_wait3A_23 : memref<5000x8xf32, #tpu.memory_space<hbm>>)
        tpu.yield
      }) : () -> ()
    }
    %scan3A_7 = arith.constant 10 : i32
    return
  }
}

module attributes {stable_mosaic.version = 14 : i64} {
  func.func @_tc_body(%arg0: i32, %arg1: memref<2560x8xf32, #tpu.memory_space<vmem>>, %arg2: memref<1x8x160xf32, #tpu.memory_space<vmem>>, %arg3: memref<1x1x2560xf32, #tpu.memory_space<vmem>>, %arg4: memref<1x1xf32, #tpu.memory_space<vmem>>, %arg5: memref<16x8xf32, #tpu.memory_space<vmem>>, %arg6: memref<16x1xf32, #tpu.memory_space<vmem>>, %arg7: memref<16x16xf32, #tpu.memory_space<vmem>>, %arg8: memref<16x1xf32, #tpu.memory_space<vmem>>, %arg9: memref<16x40xf32, #tpu.memory_space<vmem>>, %arg10: memref<16x1xf32, #tpu.memory_space<vmem>>, %arg11: memref<1x16xf32, #tpu.memory_space<vmem>>, %arg12: memref<1x1xf32, #tpu.memory_space<vmem>>, %arg13: memref<8x1xf32, #tpu.memory_space<vmem>>, %arg14: memref<2560x160xf32, #tpu.memory_space<vmem>>, %arg15: memref<160x2560xf32, #tpu.memory_space<vmem>>, %arg16: memref<1x8x160xf32, #tpu.memory_space<vmem>>, %arg17: memref<1x1x2560xf32, #tpu.memory_space<vmem>>) attributes {dimension_semantics = [#tpu.dimension_semantics<arbitrary>], iteration_bounds = array<i64: 625>, scalar_prefetch = 0 : i64, scratch_operands = 0 : i64, tpu.core_type = #tpu.core_type<tc>, window_params = [{transform_indices = @transform_0, window_bounds = array<i64: 2560, 8>}, {transform_indices = @transform_1, window_bounds = array<i64: 1, 8, 160>}, {transform_indices = @transform_2, window_bounds = array<i64: 1, 1, 2560>}, {pipeline_mode = #tpu.pipeline_mode<synchronous>, transform_indices = @transform_3, window_bounds = array<i64: 1, 1>}, {pipeline_mode = #tpu.pipeline_mode<synchronous>, transform_indices = @transform_4, window_bounds = array<i64: 16, 8>}, {pipeline_mode = #tpu.pipeline_mode<synchronous>, transform_indices = @transform_5, window_bounds = array<i64: 16, 1>}, {pipeline_mode = #tpu.pipeline_mode<synchronous>, transform_indices = @transform_6, window_bounds = array<i64: 16, 16>}, {pipeline_mode = #tpu.pipeline_mode<synchronous>, transform_indices = @transform_7, window_bounds = array<i64: 16, 1>}, {pipeline_mode = #tpu.pipeline_mode<synchronous>, transform_indices = @transform_8, window_bounds = array<i64: 16, 40>}, {pipeline_mode = #tpu.pipeline_mode<synchronous>, transform_indices = @transform_9, window_bounds = array<i64: 16, 1>}, {pipeline_mode = #tpu.pipeline_mode<synchronous>, transform_indices = @transform_10, window_bounds = array<i64: 1, 16>}, {pipeline_mode = #tpu.pipeline_mode<synchronous>, transform_indices = @transform_11, window_bounds = array<i64: 1, 1>}, {pipeline_mode = #tpu.pipeline_mode<synchronous>, transform_indices = @transform_12, window_bounds = array<i64: 8, 1>}, {pipeline_mode = #tpu.pipeline_mode<synchronous>, transform_indices = @transform_13, window_bounds = array<i64: 2560, 160>}, {pipeline_mode = #tpu.pipeline_mode<synchronous>, transform_indices = @transform_14, window_bounds = array<i64: 160, 2560>}, {transform_indices = @transform_15, window_bounds = array<i64: 1, 8, 160>}, {transform_indices = @transform_16, window_bounds = array<i64: 1, 1, 2560>}]} {
    %get3A = arith.constant 0 : index
    %get3A_0 = arith.constant 0 : index
    %get3A_1 = vector.load %arg1[%get3A, %get3A_0] : memref<2560x8xf32, #tpu.memory_space<vmem>>, vector<2560x8xf32>
    %transpose3A = tpu.transpose %get3A_1, [1, 0] : vector<2560x8xf32> -> vector<8x2560xf32>
    %slice3A = vector.extract_strided_slice %transpose3A {offsets = [0, 0], sizes = [3, 2560], strides = [1, 1]} : vector<8x2560xf32> to vector<3x2560xf32>
    %slice3A_2 = vector.extract_strided_slice %transpose3A {offsets = [3, 0], sizes = [3, 2560], strides = [1, 1]} : vector<8x2560xf32> to vector<3x2560xf32>
    %get3A_3 = arith.constant 0 : index
    %get3A_4 = arith.constant 0 : index
    %get3A_5 = arith.constant 0 : index
    %get3A_6 = vector.load %arg2[%get3A_3, %get3A_4, %get3A_5] : memref<1x8x160xf32, #tpu.memory_space<vmem>>, vector<1x8x160xf32>
    %get3A_7 = vector.shape_cast %get3A_6 : vector<1x8x160xf32> to vector<8x160xf32>
    %get3A_8 = arith.constant 0 : index
    %get3A_9 = arith.constant 0 : index
    %get3A_10 = vector.load %arg14[%get3A_8, %get3A_9] : memref<2560x160xf32, #tpu.memory_space<vmem>>, vector<2560x160xf32>
    %get3A_11 = arith.constant 0 : index
    %get3A_12 = arith.constant 0 : index
    %get3A_13 = vector.load %arg15[%get3A_11, %get3A_12] : memref<160x2560xf32, #tpu.memory_space<vmem>>, vector<160x2560xf32>
    %dot_general3A = arith.constant dense<0.000000e+00> : vector<8x2560xf32>
    %dot_general3A_14 = tpu.matmul %get3A_7, %get3A_13, %dot_general3A {dimension_numbers = #tpu.dot_dimension_numbers<[1], [0], [0], [1], [0, 0, 1, 1], [], []>, precision = #tpu.contract_precision<fp32>, transpose_lhs_hint = false} : vector<8x160xf32>, vector<160x2560xf32>, vector<8x2560xf32> -> vector<8x2560xf32>
    %slice3A_15 = vector.extract_strided_slice %dot_general3A_14 {offsets = [0, 0], sizes = [3, 2560], strides = [1, 1]} : vector<8x2560xf32> to vector<3x2560xf32>
    %slice3A_16 = vector.extract_strided_slice %dot_general3A_14 {offsets = [3, 0], sizes = [3, 2560], strides = [1, 1]} : vector<8x2560xf32> to vector<3x2560xf32>
    %get3A_17 = arith.constant 0 : index
    %get3A_18 = arith.constant 0 : index
    %get3A_19 = vector.load %arg4[%get3A_17, %get3A_18] : memref<1x1xf32, #tpu.memory_space<vmem>>, vector<1x1xf32>
    %get3A_20 = arith.constant 0 : index
    %get3A_21 = arith.constant 0 : index
    %get3A_22 = arith.constant 0 : index
    %get3A_23 = vector.load %arg3[%get3A_20, %get3A_21, %get3A_22] : memref<1x1x2560xf32, #tpu.memory_space<vmem>>, vector<1x1x2560xf32>
    %get3A_24 = vector.shape_cast %get3A_23 : vector<1x1x2560xf32> to vector<1x2560xf32>
    %sub3A = arith.subf %slice3A, %slice3A_15 : vector<3x2560xf32>
    %mul3A = arith.mulf %sub3A, %sub3A : vector<3x2560xf32>
    %reduce_sum3A = arith.constant dense<0.000000e+00> : vector<2560xf32>
    %reduce_sum3A_25 = vector.multi_reduction <add>, %mul3A, %reduce_sum3A [0] : vector<3x2560xf32> to vector<2560xf32>
    %broadcast_in_dim3A = vector.shape_cast %reduce_sum3A_25 : vector<2560xf32> to vector<1x2560xf32>
    %add3A = arith.constant 9.99999993E-9 : f32
    %add3A_26 = vector.broadcast %add3A : f32 to vector<1x2560xf32>
    %add3A_27 = arith.addf %broadcast_in_dim3A, %add3A_26 : vector<1x2560xf32>
    %sqrt3A = math.sqrt %add3A_27 : vector<1x2560xf32>
    %div3A = vector.broadcast %get3A_19 : vector<1x1xf32> to vector<3x2560xf32>
    %div3A_28 = arith.divf %sub3A, %div3A : vector<3x2560xf32>
    %div3A_29 = vector.broadcast %get3A_19 : vector<1x1xf32> to vector<1x2560xf32>
    %div3A_30 = arith.divf %sqrt3A, %div3A_29 : vector<1x2560xf32>
    %mul3A_31 = arith.mulf %slice3A_16, %sub3A : vector<3x2560xf32>
    %reduce_sum3A_32 = arith.constant dense<0.000000e+00> : vector<2560xf32>
    %reduce_sum3A_33 = vector.multi_reduction <add>, %mul3A_31, %reduce_sum3A_32 [0] : vector<3x2560xf32> to vector<2560xf32>
    %broadcast_in_dim3A_34 = vector.shape_cast %reduce_sum3A_33 : vector<2560xf32> to vector<1x2560xf32>
    %div3A_35 = vector.broadcast %get3A_19 : vector<1x1xf32> to vector<1x2560xf32>
    %div3A_36 = arith.divf %broadcast_in_dim3A_34, %div3A_35 : vector<1x2560xf32>
    %mul3A_37 = arith.mulf %slice3A_16, %slice3A_2 : vector<3x2560xf32>
    %reduce_sum3A_38 = arith.constant dense<0.000000e+00> : vector<2560xf32>
    %reduce_sum3A_39 = vector.multi_reduction <add>, %mul3A_37, %reduce_sum3A_38 [0] : vector<3x2560xf32> to vector<2560xf32>
    %broadcast_in_dim3A_40 = vector.shape_cast %reduce_sum3A_39 : vector<2560xf32> to vector<1x2560xf32>
    %broadcast_in_dim3A_41 = arith.constant 0.000000e+00 : f32
    %broadcast_in_dim3A_42 = vector.broadcast %broadcast_in_dim3A_41 : f32 to vector<1x2560xf32>
    %concatenate3A = tpu.concatenate %div3A_28, %div3A_30, %div3A_36, %broadcast_in_dim3A_40, %get3A_24, %broadcast_in_dim3A_42 in 0 : vector<3x2560xf32>, vector<1x2560xf32>, vector<1x2560xf32>, vector<1x2560xf32>, vector<1x2560xf32>, vector<1x2560xf32> -> vector<8x2560xf32>
    %get3A_43 = arith.constant 0 : index
    %get3A_44 = arith.constant 0 : index
    %get3A_45 = vector.load %arg5[%get3A_43, %get3A_44] : memref<16x8xf32, #tpu.memory_space<vmem>>, vector<16x8xf32>
    %dot_general3A_46 = arith.constant dense<0.000000e+00> : vector<16x2560xf32>
    %dot_general3A_47 = tpu.matmul %get3A_45, %concatenate3A, %dot_general3A_46 {dimension_numbers = #tpu.dot_dimension_numbers<[1], [0], [0], [1], [0, 0, 1, 1], [], []>, transpose_lhs_hint = false} : vector<16x8xf32>, vector<8x2560xf32>, vector<16x2560xf32> -> vector<16x2560xf32>
    %get3A_48 = arith.constant 0 : index
    %get3A_49 = arith.constant 0 : index
    %get3A_50 = vector.load %arg6[%get3A_48, %get3A_49] : memref<16x1xf32, #tpu.memory_space<vmem>>, vector<16x1xf32>
    %add3A_51 = vector.broadcast %get3A_50 : vector<16x1xf32> to vector<16x2560xf32>
    %add3A_52 = arith.addf %dot_general3A_47, %add3A_51 : vector<16x2560xf32>
    %max3A = arith.constant 0.000000e+00 : f32
    %max3A_53 = vector.broadcast %max3A : f32 to vector<16x2560xf32>
    %max3A_54 = arith.maximumf %add3A_52, %max3A_53 : vector<16x2560xf32>
    %get3A_55 = arith.constant 0 : index
    %get3A_56 = arith.constant 0 : index
    %get3A_57 = vector.load %arg7[%get3A_55, %get3A_56] : memref<16x16xf32, #tpu.memory_space<vmem>>, vector<16x16xf32>
    %dot_general3A_58 = arith.constant dense<0.000000e+00> : vector<16x2560xf32>
    %dot_general3A_59 = tpu.matmul %get3A_57, %max3A_54, %dot_general3A_58 {dimension_numbers = #tpu.dot_dimension_numbers<[1], [0], [0], [1], [0, 0, 1, 1], [], []>, transpose_lhs_hint = false} : vector<16x16xf32>, vector<16x2560xf32>, vector<16x2560xf32> -> vector<16x2560xf32>
    %get3A_60 = arith.constant 0 : index
    %get3A_61 = arith.constant 0 : index
    %get3A_62 = vector.load %arg8[%get3A_60, %get3A_61] : memref<16x1xf32, #tpu.memory_space<vmem>>, vector<16x1xf32>
    %add3A_63 = vector.broadcast %get3A_62 : vector<16x1xf32> to vector<16x2560xf32>
    %add3A_64 = arith.addf %dot_general3A_59, %add3A_63 : vector<16x2560xf32>
    %max3A_65 = arith.constant 0.000000e+00 : f32
    %max3A_66 = vector.broadcast %max3A_65 : f32 to vector<16x2560xf32>
    %max3A_67 = arith.maximumf %add3A_64, %max3A_66 : vector<16x2560xf32>
    %mul3A_68 = vector.broadcast %get3A_24 : vector<1x2560xf32> to vector<16x2560xf32>
    %mul3A_69 = arith.mulf %max3A_67, %mul3A_68 : vector<16x2560xf32>
    %concatenate3A_70 = tpu.concatenate %get3A_24, %mul3A_69 in 0 : vector<1x2560xf32>, vector<16x2560xf32> -> vector<17x2560xf32>
    %dot_general3A_71 = arith.constant dense<0.000000e+00> : vector<17x160xf32>
    %dot_general3A_72 = tpu.matmul %concatenate3A_70, %get3A_10, %dot_general3A_71 {dimension_numbers = #tpu.dot_dimension_numbers<[1], [0], [0], [1], [0, 0, 1, 1], [], []>, precision = #tpu.contract_precision<fp32>, transpose_lhs_hint = false} : vector<17x2560xf32>, vector<2560x160xf32>, vector<17x160xf32> -> vector<17x160xf32>
    %slice3A_73 = vector.extract_strided_slice %dot_general3A_72 {offsets = [0, 0], sizes = [1, 160], strides = [1, 1]} : vector<17x160xf32> to vector<1x160xf32>
    %slice3A_74 = vector.extract_strided_slice %dot_general3A_72 {offsets = [1, 0], sizes = [16, 160], strides = [1, 1]} : vector<17x160xf32> to vector<16x160xf32>
    %add3A_75 = arith.constant 9.99999993E-9 : f32
    %add3A_76 = vector.broadcast %add3A_75 : f32 to vector<1x160xf32>
    %add3A_77 = arith.addf %slice3A_73, %add3A_76 : vector<1x160xf32>
    %div3A_78 = vector.broadcast %add3A_77 : vector<1x160xf32> to vector<16x160xf32>
    %div3A_79 = arith.divf %slice3A_74, %div3A_78 : vector<16x160xf32>
    %dot_general3A_80 = arith.constant dense<0.000000e+00> : vector<16x2560xf32>
    %dot_general3A_81 = tpu.matmul %div3A_79, %get3A_13, %dot_general3A_80 {dimension_numbers = #tpu.dot_dimension_numbers<[1], [0], [0], [1], [0, 0, 1, 1], [], []>, precision = #tpu.contract_precision<fp32>, transpose_lhs_hint = false} : vector<16x160xf32>, vector<160x2560xf32>, vector<16x2560xf32> -> vector<16x2560xf32>
    %broadcast_in_dim3A_82 = arith.constant 0.000000e+00 : f32
    %broadcast_in_dim3A_83 = vector.broadcast %broadcast_in_dim3A_82 : f32 to vector<7x2560xf32>
    %concatenate3A_84 = tpu.concatenate %max3A_67, %dot_general3A_81, %get3A_24, %broadcast_in_dim3A_83 in 0 : vector<16x2560xf32>, vector<16x2560xf32>, vector<1x2560xf32>, vector<7x2560xf32> -> vector<40x2560xf32>
    %get3A_85 = arith.constant 0 : index
    %get3A_86 = arith.constant 0 : index
    %get3A_87 = vector.load %arg9[%get3A_85, %get3A_86] : memref<16x40xf32, #tpu.memory_space<vmem>>, vector<16x40xf32>
    %dot_general3A_88 = arith.constant dense<0.000000e+00> : vector<16x2560xf32>
    %dot_general3A_89 = tpu.matmul %get3A_87, %concatenate3A_84, %dot_general3A_88 {dimension_numbers = #tpu.dot_dimension_numbers<[1], [0], [0], [1], [0, 0, 1, 1], [], []>, transpose_lhs_hint = false} : vector<16x40xf32>, vector<40x2560xf32>, vector<16x2560xf32> -> vector<16x2560xf32>
    %get3A_90 = arith.constant 0 : index
    %get3A_91 = arith.constant 0 : index
    %get3A_92 = vector.load %arg10[%get3A_90, %get3A_91] : memref<16x1xf32, #tpu.memory_space<vmem>>, vector<16x1xf32>
    %add3A_93 = vector.broadcast %get3A_92 : vector<16x1xf32> to vector<16x2560xf32>
    %add3A_94 = arith.addf %dot_general3A_89, %add3A_93 : vector<16x2560xf32>
    %max3A_95 = arith.constant 0.000000e+00 : f32
    %max3A_96 = vector.broadcast %max3A_95 : f32 to vector<16x2560xf32>
    %max3A_97 = arith.maximumf %add3A_94, %max3A_96 : vector<16x2560xf32>
    %get3A_98 = arith.constant 0 : index
    %get3A_99 = arith.constant 0 : index
    %get3A_100 = vector.load %arg11[%get3A_98, %get3A_99] : memref<1x16xf32, #tpu.memory_space<vmem>>, vector<1x16xf32>
    %dot_general3A_101 = arith.constant dense<0.000000e+00> : vector<1x2560xf32>
    %dot_general3A_102 = tpu.matmul %get3A_100, %max3A_97, %dot_general3A_101 {dimension_numbers = #tpu.dot_dimension_numbers<[1], [0], [0], [1], [0, 0, 1, 1], [], []>, transpose_lhs_hint = false} : vector<1x16xf32>, vector<16x2560xf32>, vector<1x2560xf32> -> vector<1x2560xf32>
    %get3A_103 = arith.constant 0 : index
    %get3A_104 = arith.constant 0 : index
    %get3A_105 = vector.load %arg12[%get3A_103, %get3A_104] : memref<1x1xf32, #tpu.memory_space<vmem>>, vector<1x1xf32>
    %add3A_106 = vector.broadcast %get3A_105 : vector<1x1xf32> to vector<1x2560xf32>
    %add3A_107 = arith.addf %dot_general3A_102, %add3A_106 : vector<1x2560xf32>
    %logistic3A = arith.negf %add3A_107 : vector<1x2560xf32>
    %logistic3A_108 = math.exp %logistic3A : vector<1x2560xf32>
    %logistic3A_109 = arith.constant 1.000000e+00 : f32
    %logistic3A_110 = vector.broadcast %logistic3A_109 : f32 to vector<1x2560xf32>
    %logistic3A_111 = arith.addf %logistic3A_110, %logistic3A_108 : vector<1x2560xf32>
    %logistic3A_112 = arith.divf %logistic3A_110, %logistic3A_111 : vector<1x2560xf32>
    %swap3A = arith.constant 0 : index
    %swap3A_113 = arith.constant 0 : index
    %swap3A_114 = arith.constant 0 : index
    %swap3A_115 = vector.load %arg17[%swap3A, %swap3A_113, %swap3A_114] : memref<1x1x2560xf32, #tpu.memory_space<vmem>>, vector<1x1x2560xf32>
    %swap3A_116 = vector.shape_cast %swap3A_115 : vector<1x1x2560xf32> to vector<1x2560xf32>
    %swap3A_117 = vector.shape_cast %logistic3A_112 : vector<1x2560xf32> to vector<1x1x2560xf32>
    tpu.vector_store %arg17[%swap3A, %swap3A_113, %swap3A_114], %swap3A_117 {strides = array<i32>} : memref<1x1x2560xf32, #tpu.memory_space<vmem>>, vector<1x1x2560xf32>,
    %mul3A_118 = vector.broadcast %logistic3A_112 : vector<1x2560xf32> to vector<3x2560xf32>
    %mul3A_119 = arith.mulf %mul3A_118, %slice3A : vector<3x2560xf32>
    %concatenate3A_120 = tpu.concatenate %logistic3A_112, %mul3A_119 in 0 : vector<1x2560xf32>, vector<3x2560xf32> -> vector<4x2560xf32>
    %dot_general3A_121 = arith.constant dense<0.000000e+00> : vector<4x160xf32>
    %dot_general3A_122 = tpu.matmul %concatenate3A_120, %get3A_10, %dot_general3A_121 {dimension_numbers = #tpu.dot_dimension_numbers<[1], [0], [0], [1], [0, 0, 1, 1], [], []>, precision = #tpu.contract_precision<fp32>, transpose_lhs_hint = false} : vector<4x2560xf32>, vector<2560x160xf32>, vector<4x160xf32> -> vector<4x160xf32>
    %slice3A_123 = vector.extract_strided_slice %dot_general3A_122 {offsets = [0, 0], sizes = [1, 160], strides = [1, 1]} : vector<4x160xf32> to vector<1x160xf32>
    %add3A_124 = arith.constant 9.99999993E-9 : f32
    %add3A_125 = vector.broadcast %add3A_124 : f32 to vector<1x160xf32>
    %add3A_126 = arith.addf %slice3A_123, %add3A_125 : vector<1x160xf32>
    %slice3A_127 = vector.extract_strided_slice %dot_general3A_122 {offsets = [1, 0], sizes = [3, 160], strides = [1, 1]} : vector<4x160xf32> to vector<3x160xf32>
    %div3A_128 = vector.broadcast %add3A_126 : vector<1x160xf32> to vector<3x160xf32>
    %div3A_129 = arith.divf %slice3A_127, %div3A_128 : vector<3x160xf32>
    %dot_general3A_130 = arith.constant dense<0.000000e+00> : vector<3x2560xf32>
    %dot_general3A_131 = tpu.matmul %div3A_129, %get3A_13, %dot_general3A_130 {dimension_numbers = #tpu.dot_dimension_numbers<[1], [0], [0], [1], [0, 0, 1, 1], [], []>, precision = #tpu.contract_precision<fp32>, transpose_lhs_hint = false} : vector<3x160xf32>, vector<160x2560xf32>, vector<3x2560xf32> -> vector<3x2560xf32>
    %sub3A_132 = arith.subf %slice3A, %dot_general3A_131 : vector<3x2560xf32>
    %convert_element_type3A = arith.truncf %sub3A_132 : vector<3x2560xf32> to vector<3x2560xbf16>
    %convert_element_type3A_133 = arith.extf %convert_element_type3A : vector<3x2560xbf16> to vector<3x2560xf32>
    %mul3A_134 = vector.broadcast %logistic3A_112 : vector<1x2560xf32> to vector<3x2560xf32>
    %mul3A_135 = arith.mulf %mul3A_134, %sub3A_132 : vector<3x2560xf32>
    %convert_element_type3A_136 = arith.truncf %mul3A_135 : vector<3x2560xf32> to vector<3x2560xbf16>
    %convert_element_type3A_137 = arith.extf %convert_element_type3A_136 : vector<3x2560xbf16> to vector<3x2560xf32>
    %slice3A_138 = vector.extract_strided_slice %convert_element_type3A_133 {offsets = [0, 0], sizes = [1, 2560], strides = [1, 1]} : vector<3x2560xf32> to vector<1x2560xf32>
    %slice3A_139 = vector.extract_strided_slice %convert_element_type3A_133 {offsets = [1, 0], sizes = [1, 2560], strides = [1, 1]} : vector<3x2560xf32> to vector<1x2560xf32>
    %slice3A_140 = vector.extract_strided_slice %convert_element_type3A_133 {offsets = [2, 0], sizes = [1, 2560], strides = [1, 1]} : vector<3x2560xf32> to vector<1x2560xf32>
    %slice3A_141 = vector.extract_strided_slice %convert_element_type3A_137 {offsets = [0, 0], sizes = [1, 2560], strides = [1, 1]} : vector<3x2560xf32> to vector<1x2560xf32>
    %slice3A_142 = vector.extract_strided_slice %convert_element_type3A_137 {offsets = [1, 0], sizes = [1, 2560], strides = [1, 1]} : vector<3x2560xf32> to vector<1x2560xf32>
    %slice3A_143 = vector.extract_strided_slice %convert_element_type3A_137 {offsets = [2, 0], sizes = [1, 2560], strides = [1, 1]} : vector<3x2560xf32> to vector<1x2560xf32>
    %mul3A_144 = arith.mulf %slice3A_141, %slice3A_138 : vector<1x2560xf32>
    %mul3A_145 = arith.mulf %slice3A_142, %slice3A_139 : vector<1x2560xf32>
    %mul3A_146 = arith.mulf %slice3A_143, %slice3A_140 : vector<1x2560xf32>
    %mul3A_147 = arith.mulf %slice3A_141, %slice3A_139 : vector<1x2560xf32>
    %mul3A_148 = arith.mulf %slice3A_142, %slice3A_138 : vector<1x2560xf32>
    %add3A_149 = arith.addf %mul3A_147, %mul3A_148 : vector<1x2560xf32>
    %mul3A_150 = arith.constant 5.000000e-01 : f32
    %mul3A_151 = vector.broadcast %mul3A_150 : f32 to vector<1x2560xf32>
    %mul3A_152 = arith.mulf %mul3A_151, %add3A_149 : vector<1x2560xf32>
    %mul3A_153 = arith.mulf %slice3A_141, %slice3A_140 : vector<1x2560xf32>
    %mul3A_154 = arith.mulf %slice3A_143, %slice3A_138 : vector<1x2560xf32>
    %add3A_155 = arith.addf %mul3A_153, %mul3A_154 : vector<1x2560xf32>
    %mul3A_156 = arith.constant 5.000000e-01 : f32
    %mul3A_157 = vector.broadcast %mul3A_156 : f32 to vector<1x2560xf32>
    %mul3A_158 = arith.mulf %mul3A_157, %add3A_155 : vector<1x2560xf32>
    %mul3A_159 = arith.mulf %slice3A_142, %slice3A_140 : vector<1x2560xf32>
    %mul3A_160 = arith.mulf %slice3A_143, %slice3A_139 : vector<1x2560xf32>
    %add3A_161 = arith.addf %mul3A_159, %mul3A_160 : vector<1x2560xf32>
    %mul3A_162 = arith.constant 5.000000e-01 : f32
    %mul3A_163 = vector.broadcast %mul3A_162 : f32 to vector<1x2560xf32>
    %mul3A_164 = arith.mulf %mul3A_163, %add3A_161 : vector<1x2560xf32>
    %concatenate3A_165 = tpu.concatenate %mul3A_144, %mul3A_145, %mul3A_146, %mul3A_152, %mul3A_158, %mul3A_164 in 0 : vector<1x2560xf32>, vector<1x2560xf32>, vector<1x2560xf32>, vector<1x2560xf32>, vector<1x2560xf32>, vector<1x2560xf32> -> vector<6x2560xf32>
    %dot_general3A_166 = arith.constant dense<0.000000e+00> : vector<6x160xf32>
    %dot_general3A_167 = tpu.matmul %concatenate3A_165, %get3A_10, %dot_general3A_166 {dimension_numbers = #tpu.dot_dimension_numbers<[1], [0], [0], [1], [0, 0, 1, 1], [], []>, precision = #tpu.contract_precision<fp32>, transpose_lhs_hint = false} : vector<6x2560xf32>, vector<2560x160xf32>, vector<6x160xf32> -> vector<6x160xf32>
    %div3A_168 = vector.broadcast %add3A_126 : vector<1x160xf32> to vector<6x160xf32>
    %div3A_169 = arith.divf %dot_general3A_167, %div3A_168 : vector<6x160xf32>
    %get3A_170 = arith.constant 0 : index
    %get3A_171 = arith.constant 0 : index
    %get3A_172 = vector.load %arg13[%get3A_170, %get3A_171] : memref<8x1xf32, #tpu.memory_space<vmem>>, vector<8x1xf32>
    %slice3A_173 = vector.extract_strided_slice %get3A_172 {offsets = [0, 0], sizes = [6, 1], strides = [1, 1]} : vector<8x1xf32> to vector<6x1xf32>
    %add3A_174 = vector.broadcast %slice3A_173 : vector<6x1xf32> to vector<6x160xf32>
    %add3A_175 = arith.addf %div3A_169, %add3A_174 : vector<6x160xf32>
    %slice3A_176 = vector.extract_strided_slice %add3A_175 {offsets = [0, 0], sizes = [1, 160], strides = [1, 1]} : vector<6x160xf32> to vector<1x160xf32>
    %slice3A_177 = vector.extract_strided_slice %add3A_175 {offsets = [1, 0], sizes = [1, 160], strides = [1, 1]} : vector<6x160xf32> to vector<1x160xf32>
    %slice3A_178 = vector.extract_strided_slice %add3A_175 {offsets = [2, 0], sizes = [1, 160], strides = [1, 1]} : vector<6x160xf32> to vector<1x160xf32>
    %slice3A_179 = vector.extract_strided_slice %add3A_175 {offsets = [3, 0], sizes = [1, 160], strides = [1, 1]} : vector<6x160xf32> to vector<1x160xf32>
    %slice3A_180 = vector.extract_strided_slice %add3A_175 {offsets = [4, 0], sizes = [1, 160], strides = [1, 1]} : vector<6x160xf32> to vector<1x160xf32>
    %slice3A_181 = vector.extract_strided_slice %add3A_175 {offsets = [5, 0], sizes = [1, 160], strides = [1, 1]} : vector<6x160xf32> to vector<1x160xf32>
    %broadcast_in_dim3A_182 = arith.constant 0.000000e+00 : f32
    %broadcast_in_dim3A_183 = vector.broadcast %broadcast_in_dim3A_182 : f32 to vector<1x160xf32>
    %concatenate3A_184 = tpu.concatenate %slice3A_176, %slice3A_179, %slice3A_180, %broadcast_in_dim3A_183, %slice3A_179, %slice3A_177, %slice3A_181, %broadcast_in_dim3A_183, %slice3A_180, %slice3A_181, %slice3A_178, %broadcast_in_dim3A_183, %broadcast_in_dim3A_183, %broadcast_in_dim3A_183, %broadcast_in_dim3A_183, %broadcast_in_dim3A_183 in 0 : vector<1x160xf32>, vector<1x160xf32>, vector<1x160xf32>, vector<1x160xf32>, vector<1x160xf32>, vector<1x160xf32>, vector<1x160xf32>, vector<1x160xf32>, vector<1x160xf32>, vector<1x160xf32>, vector<1x160xf32>, vector<1x160xf32>, vector<1x160xf32>, vector<1x160xf32>, vector<1x160xf32>, vector<1x160xf32> -> vector<16x160xf32>
    %iota3A = tpu.iota {dimensions = array<i32: 0>} : vector<16x160xi32>
    %jit3A = arith.constant 5 : i32
    %eq3A = arith.constant 0 : i32
    %eq3A_185 = arith.cmpi eq, %jit3A, %eq3A : i32
    %jit3A_186 = arith.constant 1 : i32
    %select_n3A = arith.select %eq3A_185, %jit3A_186, %jit3A : i32
    %rem3A = vector.broadcast %select_n3A : i32 to vector<16x160xi32>
    %rem3A_187 = arith.remsi %iota3A, %rem3A : vector<16x160xi32>
    %ne3A = arith.constant 0 : i32
    %ne3A_188 = vector.broadcast %ne3A : i32 to vector<16x160xi32>
    %ne3A_189 = arith.cmpi ne, %rem3A_187, %ne3A_188 : vector<16x160xi32>
    %lt3A = arith.constant 0 : i32
    %lt3A_190 = vector.broadcast %lt3A : i32 to vector<16x160xi32>
    %lt3A_191 = arith.cmpi slt, %rem3A_187, %lt3A_190 : vector<16x160xi32>
    %lt3A_192 = arith.constant 0 : i32
    %lt3A_193 = arith.cmpi slt, %select_n3A, %lt3A_192 : i32
    %ne3A_194 = vector.broadcast %lt3A_193 : i1 to vector<16x160xi1>
    %ne3A_195 = vector.broadcast %ne3A_194 : vector<16x160xi1> to vector<16x160xi1>
    %ne3A_196 = arith.xori %lt3A_191, %ne3A_195 : vector<16x160xi1>
    %and3A = arith.andi %ne3A_196, %ne3A_189 : vector<16x160xi1>
    %add3A_197 = vector.broadcast %select_n3A : i32 to vector<16x160xi32>
    %add3A_198 = arith.addi %rem3A_187, %add3A_197 : vector<16x160xi32>
    %select_n3A_199 = arith.select %and3A, %add3A_198, %rem3A_187 : vector<16x160xi1>, vector<16x160xi32>
    %eq3A_200 = arith.constant 0 : i32
    %eq3A_201 = vector.broadcast %eq3A_200 : i32 to vector<16x160xi32>
    %eq3A_202 = arith.cmpi eq, %select_n3A_199, %eq3A_201 : vector<16x160xi32>
    %jit3A_203 = arith.constant 1.000000e+00 : f32
    %jit3A_204 = arith.constant 0.000000e+00 : f32
    %broadcast_in_dim3A_205 = vector.broadcast %jit3A_203 : f32 to vector<16x160xf32>
    %broadcast_in_dim3A_206 = vector.broadcast %jit3A_204 : f32 to vector<16x160xf32>
    %select_n3A_207 = arith.select %eq3A_202, %broadcast_in_dim3A_205, %broadcast_in_dim3A_206 : vector<16x160xi1>, vector<16x160xf32>
    %jit3A_208 = arith.constant 4 : i32
    %eq3A_209 = arith.constant 0 : i32
    %eq3A_210 = arith.cmpi eq, %jit3A_208, %eq3A_209 : i32
    %jit3A_211 = arith.constant 1 : i32
    %select_n3A_212 = arith.select %eq3A_210, %jit3A_211, %jit3A_208 : i32
    %rem3A_213 = vector.broadcast %select_n3A_212 : i32 to vector<16x160xi32>
    %rem3A_214 = arith.remsi %iota3A, %rem3A_213 : vector<16x160xi32>
    %ne3A_215 = arith.constant 0 : i32
    %ne3A_216 = vector.broadcast %ne3A_215 : i32 to vector<16x160xi32>
    %ne3A_217 = arith.cmpi ne, %rem3A_214, %ne3A_216 : vector<16x160xi32>
    %lt3A_218 = arith.constant 0 : i32
    %lt3A_219 = vector.broadcast %lt3A_218 : i32 to vector<16x160xi32>
    %lt3A_220 = arith.cmpi slt, %rem3A_214, %lt3A_219 : vector<16x160xi32>
    %lt3A_221 = arith.constant 0 : i32
    %lt3A_222 = arith.cmpi slt, %select_n3A_212, %lt3A_221 : i32
    %ne3A_223 = vector.broadcast %lt3A_222 : i1 to vector<16x160xi1>
    %ne3A_224 = vector.broadcast %ne3A_223 : vector<16x160xi1> to vector<16x160xi1>
    %ne3A_225 = arith.xori %lt3A_220, %ne3A_224 : vector<16x160xi1>
    %and3A_226 = arith.andi %ne3A_225, %ne3A_217 : vector<16x160xi1>
    %add3A_227 = vector.broadcast %select_n3A_212 : i32 to vector<16x160xi32>
    %add3A_228 = arith.addi %rem3A_214, %add3A_227 : vector<16x160xi32>
    %select_n3A_229 = arith.select %and3A_226, %add3A_228, %rem3A_214 : vector<16x160xi1>, vector<16x160xi32>
    %lt3A_230 = arith.constant 2 : i32
    %lt3A_231 = vector.broadcast %lt3A_230 : i32 to vector<16x160xi32>
    %lt3A_232 = arith.cmpi slt, %select_n3A_229, %lt3A_231 : vector<16x160xi32>
    %slice3A_233 = vector.extract_strided_slice %concatenate3A_184 {offsets = [0, 0], sizes = [1, 160], strides = [1, 1]} : vector<16x160xf32> to vector<1x160xf32>
    %slice3A_234 = vector.extract_strided_slice %concatenate3A_184 {offsets = [5, 0], sizes = [1, 160], strides = [1, 1]} : vector<16x160xf32> to vector<1x160xf32>
    %concatenate3A_235 = tpu.concatenate %slice3A_233, %slice3A_234 in 0 : vector<1x160xf32>, vector<1x160xf32> -> vector<2x160xf32>
    %slice3A_236 = vector.extract_strided_slice %concatenate3A_184 {offsets = [10, 0], sizes = [1, 160], strides = [1, 1]} : vector<16x160xf32> to vector<1x160xf32>
    %slice3A_237 = vector.extract_strided_slice %concatenate3A_184 {offsets = [15, 0], sizes = [1, 160], strides = [1, 1]} : vector<16x160xf32> to vector<1x160xf32>
    %concatenate3A_238 = tpu.concatenate %slice3A_236, %slice3A_237 in 0 : vector<1x160xf32>, vector<1x160xf32> -> vector<2x160xf32>
    %slice3A_239 = vector.extract_strided_slice %concatenate3A_184 {offsets = [2, 0], sizes = [1, 160], strides = [1, 1]} : vector<16x160xf32> to vector<1x160xf32>
    %slice3A_240 = vector.extract_strided_slice %concatenate3A_184 {offsets = [7, 0], sizes = [1, 160], strides = [1, 1]} : vector<16x160xf32> to vector<1x160xf32>
    %concatenate3A_241 = tpu.concatenate %slice3A_239, %slice3A_240 in 0 : vector<1x160xf32>, vector<1x160xf32> -> vector<2x160xf32>
    %eq3A_242 = arith.constant 0.000000e+00 : f32
    %eq3A_243 = vector.broadcast %eq3A_242 : f32 to vector<2x160xf32>
    %eq3A_244 = arith.cmpf oeq, %concatenate3A_241, %eq3A_243 : vector<2x160xf32>
    %jit3A_245 = arith.constant 1.000000e+00 : f32
    %broadcast_in_dim3A_246 = vector.broadcast %jit3A_245 : f32 to vector<2x160xf32>
    %select_n3A_247 = arith.select %eq3A_244, %broadcast_in_dim3A_246, %concatenate3A_241 : vector<2x160xi1>, vector<2x160xf32>
    %sub3A_248 = arith.subf %concatenate3A_238, %concatenate3A_235 : vector<2x160xf32>
    %mul3A_249 = arith.constant 2.000000e+00 : f32
    %mul3A_250 = vector.broadcast %mul3A_249 : f32 to vector<2x160xf32>
    %mul3A_251 = arith.mulf %mul3A_250, %select_n3A_247 : vector<2x160xf32>
    %div3A_252 = arith.divf %sub3A_248, %mul3A_251 : vector<2x160xf32>
    %sign3A = tpu.bitcast %div3A_252 : vector<2x160xf32> -> vector<2x160xi32>
    %sign3A_253 = arith.constant -2147483648 : i32
    %sign3A_254 = vector.broadcast %sign3A_253 : i32 to vector<2x160xi32>
    %sign3A_255 = arith.andi %sign3A, %sign3A_254 : vector<2x160xi32>
    %sign3A_256 = arith.constant 1065353216 : i32
    %sign3A_257 = vector.broadcast %sign3A_256 : i32 to vector<2x160xi32>
    %sign3A_258 = arith.ori %sign3A_257, %sign3A_255 : vector<2x160xi32>
    %sign3A_259 = tpu.bitcast %sign3A_258 : vector<2x160xi32> -> vector<2x160xf32>
    %sign3A_260 = math.absf %div3A_252 : vector<2x160xf32>
    %sign3A_261 = arith.constant 0.000000e+00 : f32
    %sign3A_262 = vector.broadcast %sign3A_261 : f32 to vector<2x160xf32>
    %sign3A_263 = arith.cmpf ogt, %sign3A_260, %sign3A_262 : vector<2x160xf32>
    %sign3A_264 = arith.select %sign3A_263, %sign3A_259, %div3A_252 : vector<2x160xi1>, vector<2x160xf32>
    %abs3A = math.absf %div3A_252 : vector<2x160xf32>
    %mul3A_265 = arith.mulf %div3A_252, %div3A_252 : vector<2x160xf32>
    %add3A_266 = arith.constant 1.000000e+00 : f32
    %add3A_267 = vector.broadcast %add3A_266 : f32 to vector<2x160xf32>
    %add3A_268 = arith.addf %add3A_267, %mul3A_265 : vector<2x160xf32>
    %sqrt3A_269 = math.sqrt %add3A_268 : vector<2x160xf32>
    %add3A_270 = arith.addf %abs3A, %sqrt3A_269 : vector<2x160xf32>
    %div3A_271 = arith.divf %sign3A_264, %add3A_270 : vector<2x160xf32>
    %jit3A_272 = arith.constant 0.000000e+00 : f32
    %broadcast_in_dim3A_273 = vector.broadcast %jit3A_272 : f32 to vector<2x160xf32>
    %select_n3A_274 = arith.select %eq3A_244, %broadcast_in_dim3A_273, %div3A_271 : vector<2x160xi1>, vector<2x160xf32>
    %mul3A_275 = arith.mulf %select_n3A_274, %select_n3A_274 : vector<2x160xf32>
    %add3A_276 = arith.constant 1.000000e+00 : f32
    %add3A_277 = vector.broadcast %add3A_276 : f32 to vector<2x160xf32>
    %add3A_278 = arith.addf %add3A_277, %mul3A_275 : vector<2x160xf32>
    %sqrt3A_279 = math.sqrt %add3A_278 : vector<2x160xf32>
    %div3A_280 = arith.constant 1.000000e+00 : f32
    %div3A_281 = vector.broadcast %div3A_280 : f32 to vector<2x160xf32>
    %div3A_282 = arith.divf %div3A_281, %sqrt3A_279 : vector<2x160xf32>
    %mul3A_283 = arith.mulf %select_n3A_274, %div3A_282 : vector<2x160xf32>
    %slice3A_284 = vector.extract_strided_slice %div3A_282 {offsets = [0, 0], sizes = [1, 160], strides = [1, 1]} : vector<2x160xf32> to vector<1x160xf32>
    %slice3A_285 = vector.extract_strided_slice %div3A_282 {offsets = [1, 0], sizes = [1, 160], strides = [1, 1]} : vector<2x160xf32> to vector<1x160xf32>
    %slice3A_286 = vector.extract_strided_slice %mul3A_283 {offsets = [0, 0], sizes = [1, 160], strides = [1, 1]} : vector<2x160xf32> to vector<1x160xf32>
    %slice3A_287 = vector.extract_strided_slice %mul3A_283 {offsets = [1, 0], sizes = [1, 160], strides = [1, 1]} : vector<2x160xf32> to vector<1x160xf32>
    %broadcast_in_dim3A_288 = vector.shape_cast %slice3A_284 : vector<1x160xf32> to vector<1x160xf32>
    %broadcast_in_dim3A_289 = vector.broadcast %broadcast_in_dim3A_288 : vector<1x160xf32> to vector<4x160xf32>
    %broadcast_in_dim3A_290 = vector.shape_cast %slice3A_285 : vector<1x160xf32> to vector<1x160xf32>
    %broadcast_in_dim3A_291 = vector.broadcast %broadcast_in_dim3A_290 : vector<1x160xf32> to vector<4x160xf32>
    %concatenate3A_292 = tpu.concatenate %broadcast_in_dim3A_289, %broadcast_in_dim3A_291 in 0 : vector<4x160xf32>, vector<4x160xf32> -> vector<8x160xf32>
    %broadcast_in_dim3A_293 = vector.shape_cast %slice3A_286 : vector<1x160xf32> to vector<1x160xf32>
    %broadcast_in_dim3A_294 = vector.broadcast %broadcast_in_dim3A_293 : vector<1x160xf32> to vector<4x160xf32>
    %broadcast_in_dim3A_295 = vector.shape_cast %slice3A_287 : vector<1x160xf32> to vector<1x160xf32>
    %broadcast_in_dim3A_296 = vector.broadcast %broadcast_in_dim3A_295 : vector<1x160xf32> to vector<4x160xf32>
    %concatenate3A_297 = tpu.concatenate %broadcast_in_dim3A_294, %broadcast_in_dim3A_296 in 0 : vector<4x160xf32>, vector<4x160xf32> -> vector<8x160xf32>
    %concatenate3A_298 = tpu.concatenate %slice3A_284, %slice3A_285 in 0 : vector<1x160xf32>, vector<1x160xf32> -> vector<2x160xf32>
    %concatenate3A_299 = tpu.concatenate %slice3A_286, %slice3A_287 in 0 : vector<1x160xf32>, vector<1x160xf32> -> vector<2x160xf32>
    %concatenate3A_300 = tpu.concatenate %concatenate3A_298, %concatenate3A_298, %concatenate3A_298, %concatenate3A_298, %concatenate3A_298, %concatenate3A_298, %concatenate3A_298, %concatenate3A_298 in 0 : vector<2x160xf32>, vector<2x160xf32>, vector<2x160xf32>, vector<2x160xf32>, vector<2x160xf32>, vector<2x160xf32>, vector<2x160xf32>, vector<2x160xf32> -> vector<16x160xf32>
    %concatenate3A_301 = tpu.concatenate %concatenate3A_299, %concatenate3A_299, %concatenate3A_299, %concatenate3A_299, %concatenate3A_299, %concatenate3A_299, %concatenate3A_299, %concatenate3A_299 in 0 : vector<2x160xf32>, vector<2x160xf32>, vector<2x160xf32>, vector<2x160xf32>, vector<2x160xf32>, vector<2x160xf32>, vector<2x160xf32>, vector<2x160xf32> -> vector<16x160xf32>
    %slice3A_302 = vector.extract_strided_slice %concatenate3A_184 {offsets = [0, 0], sizes = [8, 160], strides = [1, 1]} : vector<16x160xf32> to vector<8x160xf32>
    %slice3A_303 = vector.extract_strided_slice %concatenate3A_184 {offsets = [8, 0], sizes = [8, 160], strides = [1, 1]} : vector<16x160xf32> to vector<8x160xf32>
    %mul3A_304 = arith.mulf %concatenate3A_292, %slice3A_302 : vector<8x160xf32>
    %mul3A_305 = arith.mulf %concatenate3A_297, %slice3A_303 : vector<8x160xf32>
    %sub3A_306 = arith.subf %mul3A_304, %mul3A_305 : vector<8x160xf32>
    %mul3A_307 = arith.mulf %concatenate3A_297, %slice3A_302 : vector<8x160xf32>
    %mul3A_308 = arith.mulf %concatenate3A_292, %slice3A_303 : vector<8x160xf32>
    %add3A_309 = arith.addf %mul3A_307, %mul3A_308 : vector<8x160xf32>
    %concatenate3A_310 = tpu.concatenate %sub3A_306, %add3A_309 in 0 : vector<8x160xf32>, vector<8x160xf32> -> vector<16x160xf32>
    %slice3A_311 = vector.extract_strided_slice %concatenate3A_310 {offsets = [2, 0], sizes = [14, 160], strides = [1, 1]} : vector<16x160xf32> to vector<14x160xf32>
    %slice3A_312 = vector.extract_strided_slice %concatenate3A_310 {offsets = [0, 0], sizes = [2, 160], strides = [1, 1]} : vector<16x160xf32> to vector<2x160xf32>
    %concatenate3A_313 = tpu.concatenate %slice3A_311, %slice3A_312 in 0 : vector<14x160xf32>, vector<2x160xf32> -> vector<16x160xf32>
    %slice3A_314 = vector.extract_strided_slice %concatenate3A_310 {offsets = [14, 0], sizes = [2, 160], strides = [1, 1]} : vector<16x160xf32> to vector<2x160xf32>
    %slice3A_315 = vector.extract_strided_slice %concatenate3A_310 {offsets = [0, 0], sizes = [14, 160], strides = [1, 1]} : vector<16x160xf32> to vector<14x160xf32>
    %concatenate3A_316 = tpu.concatenate %slice3A_314, %slice3A_315 in 0 : vector<2x160xf32>, vector<14x160xf32> -> vector<16x160xf32>
    %mul3A_317 = arith.mulf %concatenate3A_300, %concatenate3A_310 : vector<16x160xf32>
    %mul3A_318 = arith.mulf %concatenate3A_301, %concatenate3A_313 : vector<16x160xf32>
    %sub3A_319 = arith.subf %mul3A_317, %mul3A_318 : vector<16x160xf32>
    %mul3A_320 = arith.mulf %concatenate3A_300, %concatenate3A_310 : vector<16x160xf32>
    %mul3A_321 = arith.mulf %concatenate3A_301, %concatenate3A_316 : vector<16x160xf32>
    %add3A_322 = arith.addf %mul3A_320, %mul3A_321 : vector<16x160xf32>
    %select_n3A_323 = arith.select %lt3A_232, %sub3A_319, %add3A_322 : vector<16x160xi1>, vector<16x160xf32>
    %slice3A_324 = vector.extract_strided_slice %select_n3A_207 {offsets = [0, 0], sizes = [8, 160], strides = [1, 1]} : vector<16x160xf32> to vector<8x160xf32>
    %slice3A_325 = vector.extract_strided_slice %select_n3A_207 {offsets = [8, 0], sizes = [8, 160], strides = [1, 1]} : vector<16x160xf32> to vector<8x160xf32>
    %mul3A_326 = arith.mulf %concatenate3A_292, %slice3A_324 : vector<8x160xf32>
    %mul3A_327 = arith.mulf %concatenate3A_297, %slice3A_325 : vector<8x160xf32>
    %sub3A_328 = arith.subf %mul3A_326, %mul3A_327 : vector<8x160xf32>
    %mul3A_329 = arith.mulf %concatenate3A_297, %slice3A_324 : vector<8x160xf32>
    %mul3A_330 = arith.mulf %concatenate3A_292, %slice3A_325 : vector<8x160xf32>
    %add3A_331 = arith.addf %mul3A_329, %mul3A_330 : vector<8x160xf32>
    %concatenate3A_332 = tpu.concatenate %sub3A_328, %add3A_331 in 0 : vector<8x160xf32>, vector<8x160xf32> -> vector<16x160xf32>
    %slice3A_333 = vector.extract_strided_slice %select_n3A_323 {offsets = [0, 0], sizes = [1, 160], strides = [1, 1]} : vector<16x160xf32> to vector<1x160xf32>
    %slice3A_334 = vector.extract_strided_slice %select_n3A_323 {offsets = [2, 0], sizes = [1, 160], strides = [1, 1]} : vector<16x160xf32> to vector<1x160xf32>
    %slice3A_335 = vector.extract_strided_slice %select_n3A_323 {offsets = [3, 0], sizes = [1, 160], strides = [1, 1]} : vector<16x160xf32> to vector<1x160xf32>
    %slice3A_336 = vector.extract_strided_slice %select_n3A_323 {offsets = [1, 0], sizes = [1, 160], strides = [1, 1]} : vector<16x160xf32> to vector<1x160xf32>
    %slice3A_337 = vector.extract_strided_slice %select_n3A_323 {offsets = [8, 0], sizes = [1, 160], strides = [1, 1]} : vector<16x160xf32> to vector<1x160xf32>
    %slice3A_338 = vector.extract_strided_slice %select_n3A_323 {offsets = [10, 0], sizes = [1, 160], strides = [1, 1]} : vector<16x160xf32> to vector<1x160xf32>
    %slice3A_339 = vector.extract_strided_slice %select_n3A_323 {offsets = [11, 0], sizes = [1, 160], strides = [1, 1]} : vector<16x160xf32> to vector<1x160xf32>
    %slice3A_340 = vector.extract_strided_slice %select_n3A_323 {offsets = [9, 0], sizes = [1, 160], strides = [1, 1]} : vector<16x160xf32> to vector<1x160xf32>
    %slice3A_341 = vector.extract_strided_slice %select_n3A_323 {offsets = [12, 0], sizes = [1, 160], strides = [1, 1]} : vector<16x160xf32> to vector<1x160xf32>
    %slice3A_342 = vector.extract_strided_slice %select_n3A_323 {offsets = [14, 0], sizes = [1, 160], strides = [1, 1]} : vector<16x160xf32> to vector<1x160xf32>
    %slice3A_343 = vector.extract_strided_slice %select_n3A_323 {offsets = [15, 0], sizes = [1, 160], strides = [1, 1]} : vector<16x160xf32> to vector<1x160xf32>
    %slice3A_344 = vector.extract_strided_slice %select_n3A_323 {offsets = [13, 0], sizes = [1, 160], strides = [1, 1]} : vector<16x160xf32> to vector<1x160xf32>
    %slice3A_345 = vector.extract_strided_slice %select_n3A_323 {offsets = [4, 0], sizes = [1, 160], strides = [1, 1]} : vector<16x160xf32> to vector<1x160xf32>
    %slice3A_346 = vector.extract_strided_slice %select_n3A_323 {offsets = [6, 0], sizes = [1, 160], strides = [1, 1]} : vector<16x160xf32> to vector<1x160xf32>
    %slice3A_347 = vector.extract_strided_slice %select_n3A_323 {offsets = [7, 0], sizes = [1, 160], strides = [1, 1]} : vector<16x160xf32> to vector<1x160xf32>
    %slice3A_348 = vector.extract_strided_slice %select_n3A_323 {offsets = [5, 0], sizes = [1, 160], strides = [1, 1]} : vector<16x160xf32> to vector<1x160xf32>
    %concatenate3A_349 = tpu.concatenate %slice3A_333, %slice3A_334, %slice3A_335, %slice3A_336, %slice3A_337, %slice3A_338, %slice3A_339, %slice3A_340, %slice3A_341, %slice3A_342, %slice3A_343, %slice3A_344, %slice3A_345, %slice3A_346, %slice3A_347, %slice3A_348 in 0 : vector<1x160xf32>, vector<1x160xf32>, vector<1x160xf32>, vector<1x160xf32>, vector<1x160xf32>, vector<1x160xf32>, vector<1x160xf32>, vector<1x160xf32>, vector<1x160xf32>, vector<1x160xf32>, vector<1x160xf32>, vector<1x160xf32>, vector<1x160xf32>, vector<1x160xf32>, vector<1x160xf32>, vector<1x160xf32> -> vector<16x160xf32>
    %slice3A_350 = vector.extract_strided_slice %concatenate3A_332 {offsets = [0, 0], sizes = [4, 160], strides = [1, 1]} : vector<16x160xf32> to vector<4x160xf32>
    %slice3A_351 = vector.extract_strided_slice %concatenate3A_332 {offsets = [8, 0], sizes = [4, 160], strides = [1, 1]} : vector<16x160xf32> to vector<4x160xf32>
    %slice3A_352 = vector.extract_strided_slice %concatenate3A_332 {offsets = [12, 0], sizes = [4, 160], strides = [1, 1]} : vector<16x160xf32> to vector<4x160xf32>
    %slice3A_353 = vector.extract_strided_slice %concatenate3A_332 {offsets = [4, 0], sizes = [4, 160], strides = [1, 1]} : vector<16x160xf32> to vector<4x160xf32>
    %concatenate3A_354 = tpu.concatenate %slice3A_350, %slice3A_351, %slice3A_352, %slice3A_353 in 0 : vector<4x160xf32>, vector<4x160xf32>, vector<4x160xf32>, vector<4x160xf32> -> vector<16x160xf32>
    %slice3A_355 = vector.extract_strided_slice %concatenate3A_349 {offsets = [0, 0], sizes = [1, 160], strides = [1, 1]} : vector<16x160xf32> to vector<1x160xf32>
    %slice3A_356 = vector.extract_strided_slice %concatenate3A_349 {offsets = [5, 0], sizes = [1, 160], strides = [1, 1]} : vector<16x160xf32> to vector<1x160xf32>
    %concatenate3A_357 = tpu.concatenate %slice3A_355, %slice3A_356 in 0 : vector<1x160xf32>, vector<1x160xf32> -> vector<2x160xf32>
    %slice3A_358 = vector.extract_strided_slice %concatenate3A_349 {offsets = [10, 0], sizes = [1, 160], strides = [1, 1]} : vector<16x160xf32> to vector<1x160xf32>
    %slice3A_359 = vector.extract_strided_slice %concatenate3A_349 {offsets = [15, 0], sizes = [1, 160], strides = [1, 1]} : vector<16x160xf32> to vector<1x160xf32>
    %concatenate3A_360 = tpu.concatenate %slice3A_358, %slice3A_359 in 0 : vector<1x160xf32>, vector<1x160xf32> -> vector<2x160xf32>
    %slice3A_361 = vector.extract_strided_slice %concatenate3A_349 {offsets = [2, 0], sizes = [1, 160], strides = [1, 1]} : vector<16x160xf32> to vector<1x160xf32>
    %slice3A_362 = vector.extract_strided_slice %concatenate3A_349 {offsets = [7, 0], sizes = [1, 160], strides = [1, 1]} : vector<16x160xf32> to vector<1x160xf32>
    %concatenate3A_363 = tpu.concatenate %slice3A_361, %slice3A_362 in 0 : vector<1x160xf32>, vector<1x160xf32> -> vector<2x160xf32>
    %eq3A_364 = arith.constant 0.000000e+00 : f32
    %eq3A_365 = vector.broadcast %eq3A_364 : f32 to vector<2x160xf32>
    %eq3A_366 = arith.cmpf oeq, %concatenate3A_363, %eq3A_365 : vector<2x160xf32>
    %jit3A_367 = arith.constant 1.000000e+00 : f32
    %broadcast_in_dim3A_368 = vector.broadcast %jit3A_367 : f32 to vector<2x160xf32>
    %select_n3A_369 = arith.select %eq3A_366, %broadcast_in_dim3A_368, %concatenate3A_363 : vector<2x160xi1>, vector<2x160xf32>
    %sub3A_370 = arith.subf %concatenate3A_360, %concatenate3A_357 : vector<2x160xf32>
    %mul3A_371 = arith.constant 2.000000e+00 : f32
    %mul3A_372 = vector.broadcast %mul3A_371 : f32 to vector<2x160xf32>
    %mul3A_373 = arith.mulf %mul3A_372, %select_n3A_369 : vector<2x160xf32>
    %div3A_374 = arith.divf %sub3A_370, %mul3A_373 : vector<2x160xf32>
    %sign3A_375 = tpu.bitcast %div3A_374 : vector<2x160xf32> -> vector<2x160xi32>
    %sign3A_376 = arith.constant -2147483648 : i32
    %sign3A_377 = vector.broadcast %sign3A_376 : i32 to vector<2x160xi32>
    %sign3A_378 = arith.andi %sign3A_375, %sign3A_377 : vector<2x160xi32>
    %sign3A_379 = arith.constant 1065353216 : i32
    %sign3A_380 = vector.broadcast %sign3A_379 : i32 to vector<2x160xi32>
    %sign3A_381 = arith.ori %sign3A_380, %sign3A_378 : vector<2x160xi32>
    %sign3A_382 = tpu.bitcast %sign3A_381 : vector<2x160xi32> -> vector<2x160xf32>
    %sign3A_383 = math.absf %div3A_374 : vector<2x160xf32>
    %sign3A_384 = arith.constant 0.000000e+00 : f32
    %sign3A_385 = vector.broadcast %sign3A_384 : f32 to vector<2x160xf32>
    %sign3A_386 = arith.cmpf ogt, %sign3A_383, %sign3A_385 : vector<2x160xf32>
    %sign3A_387 = arith.select %sign3A_386, %sign3A_382, %div3A_374 : vector<2x160xi1>, vector<2x160xf32>
    %abs3A_388 = math.absf %div3A_374 : vector<2x160xf32>
    %mul3A_389 = arith.mulf %div3A_374, %div3A_374 : vector<2x160xf32>
    %add3A_390 = arith.constant 1.000000e+00 : f32
    %add3A_391 = vector.broadcast %add3A_390 : f32 to vector<2x160xf32>
    %add3A_392 = arith.addf %add3A_391, %mul3A_389 : vector<2x160xf32>
    %sqrt3A_393 = math.sqrt %add3A_392 : vector<2x160xf32>
    %add3A_394 = arith.addf %abs3A_388, %sqrt3A_393 : vector<2x160xf32>
    %div3A_395 = arith.divf %sign3A_387, %add3A_394 : vector<2x160xf32>
    %jit3A_396 = arith.constant 0.000000e+00 : f32
    %broadcast_in_dim3A_397 = vector.broadcast %jit3A_396 : f32 to vector<2x160xf32>
    %select_n3A_398 = arith.select %eq3A_366, %broadcast_in_dim3A_397, %div3A_395 : vector<2x160xi1>, vector<2x160xf32>
    %mul3A_399 = arith.mulf %select_n3A_398, %select_n3A_398 : vector<2x160xf32>
    %add3A_400 = arith.constant 1.000000e+00 : f32
    %add3A_401 = vector.broadcast %add3A_400 : f32 to vector<2x160xf32>
    %add3A_402 = arith.addf %add3A_401, %mul3A_399 : vector<2x160xf32>
    %sqrt3A_403 = math.sqrt %add3A_402 : vector<2x160xf32>
    %div3A_404 = arith.constant 1.000000e+00 : f32
    %div3A_405 = vector.broadcast %div3A_404 : f32 to vector<2x160xf32>
    %div3A_406 = arith.divf %div3A_405, %sqrt3A_403 : vector<2x160xf32>
    %mul3A_407 = arith.mulf %select_n3A_398, %div3A_406 : vector<2x160xf32>
    %slice3A_408 = vector.extract_strided_slice %div3A_406 {offsets = [0, 0], sizes = [1, 160], strides = [1, 1]} : vector<2x160xf32> to vector<1x160xf32>
    %slice3A_409 = vector.extract_strided_slice %div3A_406 {offsets = [1, 0], sizes = [1, 160], strides = [1, 1]} : vector<2x160xf32> to vector<1x160xf32>
    %slice3A_410 = vector.extract_strided_slice %mul3A_407 {offsets = [0, 0], sizes = [1, 160], strides = [1, 1]} : vector<2x160xf32> to vector<1x160xf32>
    %slice3A_411 = vector.extract_strided_slice %mul3A_407 {offsets = [1, 0], sizes = [1, 160], strides = [1, 1]} : vector<2x160xf32> to vector<1x160xf32>
    %broadcast_in_dim3A_412 = vector.shape_cast %slice3A_408 : vector<1x160xf32> to vector<1x160xf32>
    %broadcast_in_dim3A_413 = vector.broadcast %broadcast_in_dim3A_412 : vector<1x160xf32> to vector<4x160xf32>
    %broadcast_in_dim3A_414 = vector.shape_cast %slice3A_409 : vector<1x160xf32> to vector<1x160xf32>
    %broadcast_in_dim3A_415 = vector.broadcast %broadcast_in_dim3A_414 : vector<1x160xf32> to vector<4x160xf32>
    %concatenate3A_416 = tpu.concatenate %broadcast_in_dim3A_413, %broadcast_in_dim3A_415 in 0 : vector<4x160xf32>, vector<4x160xf32> -> vector<8x160xf32>
    %broadcast_in_dim3A_417 = vector.shape_cast %slice3A_410 : vector<1x160xf32> to vector<1x160xf32>
    %broadcast_in_dim3A_418 = vector.broadcast %broadcast_in_dim3A_417 : vector<1x160xf32> to vector<4x160xf32>
    %broadcast_in_dim3A_419 = vector.shape_cast %slice3A_411 : vector<1x160xf32> to vector<1x160xf32>
    %broadcast_in_dim3A_420 = vector.broadcast %broadcast_in_dim3A_419 : vector<1x160xf32> to vector<4x160xf32>
    %concatenate3A_421 = tpu.concatenate %broadcast_in_dim3A_418, %broadcast_in_dim3A_420 in 0 : vector<4x160xf32>, vector<4x160xf32> -> vector<8x160xf32>
    %concatenate3A_422 = tpu.concatenate %slice3A_408, %slice3A_409 in 0 : vector<1x160xf32>, vector<1x160xf32> -> vector<2x160xf32>
    %concatenate3A_423 = tpu.concatenate %slice3A_410, %slice3A_411 in 0 : vector<1x160xf32>, vector<1x160xf32> -> vector<2x160xf32>
    %concatenate3A_424 = tpu.concatenate %concatenate3A_422, %concatenate3A_422, %concatenate3A_422, %concatenate3A_422, %concatenate3A_422, %concatenate3A_422, %concatenate3A_422, %concatenate3A_422 in 0 : vector<2x160xf32>, vector<2x160xf32>, vector<2x160xf32>, vector<2x160xf32>, vector<2x160xf32>, vector<2x160xf32>, vector<2x160xf32>, vector<2x160xf32> -> vector<16x160xf32>
    %concatenate3A_425 = tpu.concatenate %concatenate3A_423, %concatenate3A_423, %concatenate3A_423, %concatenate3A_423, %concatenate3A_423, %concatenate3A_423, %concatenate3A_423, %concatenate3A_423 in 0 : vector<2x160xf32>, vector<2x160xf32>, vector<2x160xf32>, vector<2x160xf32>, vector<2x160xf32>, vector<2x160xf32>, vector<2x160xf32>, vector<2x160xf32> -> vector<16x160xf32>
    %slice3A_426 = vector.extract_strided_slice %concatenate3A_349 {offsets = [0, 0], sizes = [8, 160], strides = [1, 1]} : vector<16x160xf32> to vector<8x160xf32>
    %slice3A_427 = vector.extract_strided_slice %concatenate3A_349 {offsets = [8, 0], sizes = [8, 160], strides = [1, 1]} : vector<16x160xf32> to vector<8x160xf32>
    %mul3A_428 = arith.mulf %concatenate3A_416, %slice3A_426 : vector<8x160xf32>
    %mul3A_429 = arith.mulf %concatenate3A_421, %slice3A_427 : vector<8x160xf32>
    %sub3A_430 = arith.subf %mul3A_428, %mul3A_429 : vector<8x160xf32>
    %mul3A_431 = arith.mulf %concatenate3A_421, %slice3A_426 : vector<8x160xf32>
    %mul3A_432 = arith.mulf %concatenate3A_416, %slice3A_427 : vector<8x160xf32>
    %add3A_433 = arith.addf %mul3A_431, %mul3A_432 : vector<8x160xf32>
    %concatenate3A_434 = tpu.concatenate %sub3A_430, %add3A_433 in 0 : vector<8x160xf32>, vector<8x160xf32> -> vector<16x160xf32>
    %slice3A_435 = vector.extract_strided_slice %concatenate3A_434 {offsets = [2, 0], sizes = [14, 160], strides = [1, 1]} : vector<16x160xf32> to vector<14x160xf32>
    %slice3A_436 = vector.extract_strided_slice %concatenate3A_434 {offsets = [0, 0], sizes = [2, 160], strides = [1, 1]} : vector<16x160xf32> to vector<2x160xf32>
    %concatenate3A_437 = tpu.concatenate %slice3A_435, %slice3A_436 in 0 : vector<14x160xf32>, vector<2x160xf32> -> vector<16x160xf32>
    %slice3A_438 = vector.extract_strided_slice %concatenate3A_434 {offsets = [14, 0], sizes = [2, 160], strides = [1, 1]} : vector<16x160xf32> to vector<2x160xf32>
    %slice3A_439 = vector.extract_strided_slice %concatenate3A_434 {offsets = [0, 0], sizes = [14, 160], strides = [1, 1]} : vector<16x160xf32> to vector<14x160xf32>
    %concatenate3A_440 = tpu.concatenate %slice3A_438, %slice3A_439 in 0 : vector<2x160xf32>, vector<14x160xf32> -> vector<16x160xf32>
    %mul3A_441 = arith.mulf %concatenate3A_424, %concatenate3A_434 : vector<16x160xf32>
    %mul3A_442 = arith.mulf %concatenate3A_425, %concatenate3A_437 : vector<16x160xf32>
    %sub3A_443 = arith.subf %mul3A_441, %mul3A_442 : vector<16x160xf32>
    %mul3A_444 = arith.mulf %concatenate3A_424, %concatenate3A_434 : vector<16x160xf32>
    %mul3A_445 = arith.mulf %concatenate3A_425, %concatenate3A_440 : vector<16x160xf32>
    %add3A_446 = arith.addf %mul3A_444, %mul3A_445 : vector<16x160xf32>
    %select_n3A_447 = arith.select %lt3A_232, %sub3A_443, %add3A_446 : vector<16x160xi1>, vector<16x160xf32>
    %slice3A_448 = vector.extract_strided_slice %concatenate3A_354 {offsets = [0, 0], sizes = [8, 160], strides = [1, 1]} : vector<16x160xf32> to vector<8x160xf32>
    %slice3A_449 = vector.extract_strided_slice %concatenate3A_354 {offsets = [8, 0], sizes = [8, 160], strides = [1, 1]} : vector<16x160xf32> to vector<8x160xf32>
    %mul3A_450 = arith.mulf %concatenate3A_416, %slice3A_448 : vector<8x160xf32>
    %mul3A_451 = arith.mulf %concatenate3A_421, %slice3A_449 : vector<8x160xf32>
    %sub3A_452 = arith.subf %mul3A_450, %mul3A_451 : vector<8x160xf32>
    %mul3A_453 = arith.mulf %concatenate3A_421, %slice3A_448 : vector<8x160xf32>
    %mul3A_454 = arith.mulf %concatenate3A_416, %slice3A_449 : vector<8x160xf32>
    %add3A_455 = arith.addf %mul3A_453, %mul3A_454 : vector<8x160xf32>
    %concatenate3A_456 = tpu.concatenate %sub3A_452, %add3A_455 in 0 : vector<8x160xf32>, vector<8x160xf32> -> vector<16x160xf32>
    %slice3A_457 = vector.extract_strided_slice %select_n3A_447 {offsets = [0, 0], sizes = [1, 160], strides = [1, 1]} : vector<16x160xf32> to vector<1x160xf32>
    %slice3A_458 = vector.extract_strided_slice %select_n3A_447 {offsets = [2, 0], sizes = [1, 160], strides = [1, 1]} : vector<16x160xf32> to vector<1x160xf32>
    %slice3A_459 = vector.extract_strided_slice %select_n3A_447 {offsets = [3, 0], sizes = [1, 160], strides = [1, 1]} : vector<16x160xf32> to vector<1x160xf32>
    %slice3A_460 = vector.extract_strided_slice %select_n3A_447 {offsets = [1, 0], sizes = [1, 160], strides = [1, 1]} : vector<16x160xf32> to vector<1x160xf32>
    %slice3A_461 = vector.extract_strided_slice %select_n3A_447 {offsets = [8, 0], sizes = [1, 160], strides = [1, 1]} : vector<16x160xf32> to vector<1x160xf32>
    %slice3A_462 = vector.extract_strided_slice %select_n3A_447 {offsets = [10, 0], sizes = [1, 160], strides = [1, 1]} : vector<16x160xf32> to vector<1x160xf32>
    %slice3A_463 = vector.extract_strided_slice %select_n3A_447 {offsets = [11, 0], sizes = [1, 160], strides = [1, 1]} : vector<16x160xf32> to vector<1x160xf32>
    %slice3A_464 = vector.extract_strided_slice %select_n3A_447 {offsets = [9, 0], sizes = [1, 160], strides = [1, 1]} : vector<16x160xf32> to vector<1x160xf32>
    %slice3A_465 = vector.extract_strided_slice %select_n3A_447 {offsets = [12, 0], sizes = [1, 160], strides = [1, 1]} : vector<16x160xf32> to vector<1x160xf32>
    %slice3A_466 = vector.extract_strided_slice %select_n3A_447 {offsets = [14, 0], sizes = [1, 160], strides = [1, 1]} : vector<16x160xf32> to vector<1x160xf32>
    %slice3A_467 = vector.extract_strided_slice %select_n3A_447 {offsets = [15, 0], sizes = [1, 160], strides = [1, 1]} : vector<16x160xf32> to vector<1x160xf32>
    %slice3A_468 = vector.extract_strided_slice %select_n3A_447 {offsets = [13, 0], sizes = [1, 160], strides = [1, 1]} : vector<16x160xf32> to vector<1x160xf32>
    %slice3A_469 = vector.extract_strided_slice %select_n3A_447 {offsets = [4, 0], sizes = [1, 160], strides = [1, 1]} : vector<16x160xf32> to vector<1x160xf32>
    %slice3A_470 = vector.extract_strided_slice %select_n3A_447 {offsets = [6, 0], sizes = [1, 160], strides = [1, 1]} : vector<16x160xf32> to vector<1x160xf32>
    %slice3A_471 = vector.extract_strided_slice %select_n3A_447 {offsets = [7, 0], sizes = [1, 160], strides = [1, 1]} : vector<16x160xf32> to vector<1x160xf32>
    %slice3A_472 = vector.extract_strided_slice %select_n3A_447 {offsets = [5, 0], sizes = [1, 160], strides = [1, 1]} : vector<16x160xf32> to vector<1x160xf32>
    %concatenate3A_473 = tpu.concatenate %slice3A_457, %slice3A_458, %slice3A_459, %slice3A_460, %slice3A_461, %slice3A_462, %slice3A_463, %slice3A_464, %slice3A_465, %slice3A_466, %slice3A_467, %slice3A_468, %slice3A_469, %slice3A_470, %slice3A_471, %slice3A_472 in 0 : vector<1x160xf32>, vector<1x160xf32>, vector<1x160xf32>, vector<1x160xf32>, vector<1x160xf32>, vector<1x160xf32>, vector<1x160xf32>, vector<1x160xf32>, vector<1x160xf32>, vector<1x160xf32>, vector<1x160xf32>, vector<1x160xf32>, vector<1x160xf32>, vector<1x160xf32>, vector<1x160xf32>, vector<1x160xf32> -> vector<16x160xf32>
    %slice3A_474 = vector.extract_strided_slice %concatenate3A_456 {offsets = [0, 0], sizes = [4, 160], strides = [1, 1]} : vector<16x160xf32> to vector<4x160xf32>
    %slice3A_475 = vector.extract_strided_slice %concatenate3A_456 {offsets = [8, 0], sizes = [4, 160], strides = [1, 1]} : vector<16x160xf32> to vector<4x160xf32>
    %slice3A_476 = vector.extract_strided_slice %concatenate3A_456 {offsets = [12, 0], sizes = [4, 160], strides = [1, 1]} : vector<16x160xf32> to vector<4x160xf32>
    %slice3A_477 = vector.extract_strided_slice %concatenate3A_456 {offsets = [4, 0], sizes = [4, 160], strides = [1, 1]} : vector<16x160xf32> to vector<4x160xf32>
    %concatenate3A_478 = tpu.concatenate %slice3A_474, %slice3A_475, %slice3A_476, %slice3A_477 in 0 : vector<4x160xf32>, vector<4x160xf32>, vector<4x160xf32>, vector<4x160xf32> -> vector<16x160xf32>
    %slice3A_479 = vector.extract_strided_slice %concatenate3A_473 {offsets = [0, 0], sizes = [1, 160], strides = [1, 1]} : vector<16x160xf32> to vector<1x160xf32>
    %slice3A_480 = vector.extract_strided_slice %concatenate3A_473 {offsets = [5, 0], sizes = [1, 160], strides = [1, 1]} : vector<16x160xf32> to vector<1x160xf32>
    %concatenate3A_481 = tpu.concatenate %slice3A_479, %slice3A_480 in 0 : vector<1x160xf32>, vector<1x160xf32> -> vector<2x160xf32>
    %slice3A_482 = vector.extract_strided_slice %concatenate3A_473 {offsets = [10, 0], sizes = [1, 160], strides = [1, 1]} : vector<16x160xf32> to vector<1x160xf32>
    %slice3A_483 = vector.extract_strided_slice %concatenate3A_473 {offsets = [15, 0], sizes = [1, 160], strides = [1, 1]} : vector<16x160xf32> to vector<1x160xf32>
    %concatenate3A_484 = tpu.concatenate %slice3A_482, %slice3A_483 in 0 : vector<1x160xf32>, vector<1x160xf32> -> vector<2x160xf32>
    %slice3A_485 = vector.extract_strided_slice %concatenate3A_473 {offsets = [2, 0], sizes = [1, 160], strides = [1, 1]} : vector<16x160xf32> to vector<1x160xf32>
    %slice3A_486 = vector.extract_strided_slice %concatenate3A_473 {offsets = [7, 0], sizes = [1, 160], strides = [1, 1]} : vector<16x160xf32> to vector<1x160xf32>
    %concatenate3A_487 = tpu.concatenate %slice3A_485, %slice3A_486 in 0 : vector<1x160xf32>, vector<1x160xf32> -> vector<2x160xf32>
    %eq3A_488 = arith.constant 0.000000e+00 : f32
    %eq3A_489 = vector.broadcast %eq3A_488 : f32 to vector<2x160xf32>
    %eq3A_490 = arith.cmpf oeq, %concatenate3A_487, %eq3A_489 : vector<2x160xf32>
    %jit3A_491 = arith.constant 1.000000e+00 : f32
    %broadcast_in_dim3A_492 = vector.broadcast %jit3A_491 : f32 to vector<2x160xf32>
    %select_n3A_493 = arith.select %eq3A_490, %broadcast_in_dim3A_492, %concatenate3A_487 : vector<2x160xi1>, vector<2x160xf32>
    %sub3A_494 = arith.subf %concatenate3A_484, %concatenate3A_481 : vector<2x160xf32>
    %mul3A_495 = arith.constant 2.000000e+00 : f32
    %mul3A_496 = vector.broadcast %mul3A_495 : f32 to vector<2x160xf32>
    %mul3A_497 = arith.mulf %mul3A_496, %select_n3A_493 : vector<2x160xf32>
    %div3A_498 = arith.divf %sub3A_494, %mul3A_497 : vector<2x160xf32>
    %sign3A_499 = tpu.bitcast %div3A_498 : vector<2x160xf32> -> vector<2x160xi32>
    %sign3A_500 = arith.constant -2147483648 : i32
    %sign3A_501 = vector.broadcast %sign3A_500 : i32 to vector<2x160xi32>
    %sign3A_502 = arith.andi %sign3A_499, %sign3A_501 : vector<2x160xi32>
    %sign3A_503 = arith.constant 1065353216 : i32
    %sign3A_504 = vector.broadcast %sign3A_503 : i32 to vector<2x160xi32>
    %sign3A_505 = arith.ori %sign3A_504, %sign3A_502 : vector<2x160xi32>
    %sign3A_506 = tpu.bitcast %sign3A_505 : vector<2x160xi32> -> vector<2x160xf32>
    %sign3A_507 = math.absf %div3A_498 : vector<2x160xf32>
    %sign3A_508 = arith.constant 0.000000e+00 : f32
    %sign3A_509 = vector.broadcast %sign3A_508 : f32 to vector<2x160xf32>
    %sign3A_510 = arith.cmpf ogt, %sign3A_507, %sign3A_509 : vector<2x160xf32>
    %sign3A_511 = arith.select %sign3A_510, %sign3A_506, %div3A_498 : vector<2x160xi1>, vector<2x160xf32>
    %abs3A_512 = math.absf %div3A_498 : vector<2x160xf32>
    %mul3A_513 = arith.mulf %div3A_498, %div3A_498 : vector<2x160xf32>
    %add3A_514 = arith.constant 1.000000e+00 : f32
    %add3A_515 = vector.broadcast %add3A_514 : f32 to vector<2x160xf32>
    %add3A_516 = arith.addf %add3A_515, %mul3A_513 : vector<2x160xf32>
    %sqrt3A_517 = math.sqrt %add3A_516 : vector<2x160xf32>
    %add3A_518 = arith.addf %abs3A_512, %sqrt3A_517 : vector<2x160xf32>
    %div3A_519 = arith.divf %sign3A_511, %add3A_518 : vector<2x160xf32>
    %jit3A_520 = arith.constant 0.000000e+00 : f32
    %broadcast_in_dim3A_521 = vector.broadcast %jit3A_520 : f32 to vector<2x160xf32>
    %select_n3A_522 = arith.select %eq3A_490, %broadcast_in_dim3A_521, %div3A_519 : vector<2x160xi1>, vector<2x160xf32>
    %mul3A_523 = arith.mulf %select_n3A_522, %select_n3A_522 : vector<2x160xf32>
    %add3A_524 = arith.constant 1.000000e+00 : f32
    %add3A_525 = vector.broadcast %add3A_524 : f32 to vector<2x160xf32>
    %add3A_526 = arith.addf %add3A_525, %mul3A_523 : vector<2x160xf32>
    %sqrt3A_527 = math.sqrt %add3A_526 : vector<2x160xf32>
    %div3A_528 = arith.constant 1.000000e+00 : f32
    %div3A_529 = vector.broadcast %div3A_528 : f32 to vector<2x160xf32>
    %div3A_530 = arith.divf %div3A_529, %sqrt3A_527 : vector<2x160xf32>
    %mul3A_531 = arith.mulf %select_n3A_522, %div3A_530 : vector<2x160xf32>
    %slice3A_532 = vector.extract_strided_slice %div3A_530 {offsets = [0, 0], sizes = [1, 160], strides = [1, 1]} : vector<2x160xf32> to vector<1x160xf32>
    %slice3A_533 = vector.extract_strided_slice %div3A_530 {offsets = [1, 0], sizes = [1, 160], strides = [1, 1]} : vector<2x160xf32> to vector<1x160xf32>
    %slice3A_534 = vector.extract_strided_slice %mul3A_531 {offsets = [0, 0], sizes = [1, 160], strides = [1, 1]} : vector<2x160xf32> to vector<1x160xf32>
    %slice3A_535 = vector.extract_strided_slice %mul3A_531 {offsets = [1, 0], sizes = [1, 160], strides = [1, 1]} : vector<2x160xf32> to vector<1x160xf32>
    %broadcast_in_dim3A_536 = vector.shape_cast %slice3A_532 : vector<1x160xf32> to vector<1x160xf32>
    %broadcast_in_dim3A_537 = vector.broadcast %broadcast_in_dim3A_536 : vector<1x160xf32> to vector<4x160xf32>
    %broadcast_in_dim3A_538 = vector.shape_cast %slice3A_533 : vector<1x160xf32> to vector<1x160xf32>
    %broadcast_in_dim3A_539 = vector.broadcast %broadcast_in_dim3A_538 : vector<1x160xf32> to vector<4x160xf32>
    %concatenate3A_540 = tpu.concatenate %broadcast_in_dim3A_537, %broadcast_in_dim3A_539 in 0 : vector<4x160xf32>, vector<4x160xf32> -> vector<8x160xf32>
    %broadcast_in_dim3A_541 = vector.shape_cast %slice3A_534 : vector<1x160xf32> to vector<1x160xf32>
    %broadcast_in_dim3A_542 = vector.broadcast %broadcast_in_dim3A_541 : vector<1x160xf32> to vector<4x160xf32>
    %broadcast_in_dim3A_543 = vector.shape_cast %slice3A_535 : vector<1x160xf32> to vector<1x160xf32>
    %broadcast_in_dim3A_544 = vector.broadcast %broadcast_in_dim3A_543 : vector<1x160xf32> to vector<4x160xf32>
    %concatenate3A_545 = tpu.concatenate %broadcast_in_dim3A_542, %broadcast_in_dim3A_544 in 0 : vector<4x160xf32>, vector<4x160xf32> -> vector<8x160xf32>
    %concatenate3A_546 = tpu.concatenate %slice3A_532, %slice3A_533 in 0 : vector<1x160xf32>, vector<1x160xf32> -> vector<2x160xf32>
    %concatenate3A_547 = tpu.concatenate %slice3A_534, %slice3A_535 in 0 : vector<1x160xf32>, vector<1x160xf32> -> vector<2x160xf32>
    %concatenate3A_548 = tpu.concatenate %concatenate3A_546, %concatenate3A_546, %concatenate3A_546, %concatenate3A_546, %concatenate3A_546, %concatenate3A_546, %concatenate3A_546, %concatenate3A_546 in 0 : vector<2x160xf32>, vector<2x160xf32>, vector<2x160xf32>, vector<2x160xf32>, vector<2x160xf32>, vector<2x160xf32>, vector<2x160xf32>, vector<2x160xf32> -> vector<16x160xf32>
    %concatenate3A_549 = tpu.concatenate %concatenate3A_547, %concatenate3A_547, %concatenate3A_547, %concatenate3A_547, %concatenate3A_547, %concatenate3A_547, %concatenate3A_547, %concatenate3A_547 in 0 : vector<2x160xf32>, vector<2x160xf32>, vector<2x160xf32>, vector<2x160xf32>, vector<2x160xf32>, vector<2x160xf32>, vector<2x160xf32>, vector<2x160xf32> -> vector<16x160xf32>
    %slice3A_550 = vector.extract_strided_slice %concatenate3A_473 {offsets = [0, 0], sizes = [8, 160], strides = [1, 1]} : vector<16x160xf32> to vector<8x160xf32>
    %slice3A_551 = vector.extract_strided_slice %concatenate3A_473 {offsets = [8, 0], sizes = [8, 160], strides = [1, 1]} : vector<16x160xf32> to vector<8x160xf32>
    %mul3A_552 = arith.mulf %concatenate3A_540, %slice3A_550 : vector<8x160xf32>
    %mul3A_553 = arith.mulf %concatenate3A_545, %slice3A_551 : vector<8x160xf32>
    %sub3A_554 = arith.subf %mul3A_552, %mul3A_553 : vector<8x160xf32>
    %mul3A_555 = arith.mulf %concatenate3A_545, %slice3A_550 : vector<8x160xf32>
    %mul3A_556 = arith.mulf %concatenate3A_540, %slice3A_551 : vector<8x160xf32>
    %add3A_557 = arith.addf %mul3A_555, %mul3A_556 : vector<8x160xf32>
    %concatenate3A_558 = tpu.concatenate %sub3A_554, %add3A_557 in 0 : vector<8x160xf32>, vector<8x160xf32> -> vector<16x160xf32>
    %slice3A_559 = vector.extract_strided_slice %concatenate3A_558 {offsets = [2, 0], sizes = [14, 160], strides = [1, 1]} : vector<16x160xf32> to vector<14x160xf32>
    %slice3A_560 = vector.extract_strided_slice %concatenate3A_558 {offsets = [0, 0], sizes = [2, 160], strides = [1, 1]} : vector<16x160xf32> to vector<2x160xf32>
    %concatenate3A_561 = tpu.concatenate %slice3A_559, %slice3A_560 in 0 : vector<14x160xf32>, vector<2x160xf32> -> vector<16x160xf32>
    %slice3A_562 = vector.extract_strided_slice %concatenate3A_558 {offsets = [14, 0], sizes = [2, 160], strides = [1, 1]} : vector<16x160xf32> to vector<2x160xf32>
    %slice3A_563 = vector.extract_strided_slice %concatenate3A_558 {offsets = [0, 0], sizes = [14, 160], strides = [1, 1]} : vector<16x160xf32> to vector<14x160xf32>
    %concatenate3A_564 = tpu.concatenate %slice3A_562, %slice3A_563 in 0 : vector<2x160xf32>, vector<14x160xf32> -> vector<16x160xf32>
    %mul3A_565 = arith.mulf %concatenate3A_548, %concatenate3A_558 : vector<16x160xf32>
    %mul3A_566 = arith.mulf %concatenate3A_549, %concatenate3A_561 : vector<16x160xf32>
    %sub3A_567 = arith.subf %mul3A_565, %mul3A_566 : vector<16x160xf32>
    %mul3A_568 = arith.mulf %concatenate3A_548, %concatenate3A_558 : vector<16x160xf32>
    %mul3A_569 = arith.mulf %concatenate3A_549, %concatenate3A_564 : vector<16x160xf32>
    %add3A_570 = arith.addf %mul3A_568, %mul3A_569 : vector<16x160xf32>
    %select_n3A_571 = arith.select %lt3A_232, %sub3A_567, %add3A_570 : vector<16x160xi1>, vector<16x160xf32>
    %slice3A_572 = vector.extract_strided_slice %concatenate3A_478 {offsets = [0, 0], sizes = [8, 160], strides = [1, 1]} : vector<16x160xf32> to vector<8x160xf32>
    %slice3A_573 = vector.extract_strided_slice %concatenate3A_478 {offsets = [8, 0], sizes = [8, 160], strides = [1, 1]} : vector<16x160xf32> to vector<8x160xf32>
    %mul3A_574 = arith.mulf %concatenate3A_540, %slice3A_572 : vector<8x160xf32>
    %mul3A_575 = arith.mulf %concatenate3A_545, %slice3A_573 : vector<8x160xf32>
    %sub3A_576 = arith.subf %mul3A_574, %mul3A_575 : vector<8x160xf32>
    %mul3A_577 = arith.mulf %concatenate3A_545, %slice3A_572 : vector<8x160xf32>
    %mul3A_578 = arith.mulf %concatenate3A_540, %slice3A_573 : vector<8x160xf32>
    %add3A_579 = arith.addf %mul3A_577, %mul3A_578 : vector<8x160xf32>
    %concatenate3A_580 = tpu.concatenate %sub3A_576, %add3A_579 in 0 : vector<8x160xf32>, vector<8x160xf32> -> vector<16x160xf32>
    %slice3A_581 = vector.extract_strided_slice %select_n3A_571 {offsets = [0, 0], sizes = [1, 160], strides = [1, 1]} : vector<16x160xf32> to vector<1x160xf32>
    %slice3A_582 = vector.extract_strided_slice %select_n3A_571 {offsets = [2, 0], sizes = [1, 160], strides = [1, 1]} : vector<16x160xf32> to vector<1x160xf32>
    %slice3A_583 = vector.extract_strided_slice %select_n3A_571 {offsets = [3, 0], sizes = [1, 160], strides = [1, 1]} : vector<16x160xf32> to vector<1x160xf32>
    %slice3A_584 = vector.extract_strided_slice %select_n3A_571 {offsets = [1, 0], sizes = [1, 160], strides = [1, 1]} : vector<16x160xf32> to vector<1x160xf32>
    %slice3A_585 = vector.extract_strided_slice %select_n3A_571 {offsets = [8, 0], sizes = [1, 160], strides = [1, 1]} : vector<16x160xf32> to vector<1x160xf32>
    %slice3A_586 = vector.extract_strided_slice %select_n3A_571 {offsets = [10, 0], sizes = [1, 160], strides = [1, 1]} : vector<16x160xf32> to vector<1x160xf32>
    %slice3A_587 = vector.extract_strided_slice %select_n3A_571 {offsets = [11, 0], sizes = [1, 160], strides = [1, 1]} : vector<16x160xf32> to vector<1x160xf32>
    %slice3A_588 = vector.extract_strided_slice %select_n3A_571 {offsets = [9, 0], sizes = [1, 160], strides = [1, 1]} : vector<16x160xf32> to vector<1x160xf32>
    %slice3A_589 = vector.extract_strided_slice %select_n3A_571 {offsets = [12, 0], sizes = [1, 160], strides = [1, 1]} : vector<16x160xf32> to vector<1x160xf32>
    %slice3A_590 = vector.extract_strided_slice %select_n3A_571 {offsets = [14, 0], sizes = [1, 160], strides = [1, 1]} : vector<16x160xf32> to vector<1x160xf32>
    %slice3A_591 = vector.extract_strided_slice %select_n3A_571 {offsets = [15, 0], sizes = [1, 160], strides = [1, 1]} : vector<16x160xf32> to vector<1x160xf32>
    %slice3A_592 = vector.extract_strided_slice %select_n3A_571 {offsets = [13, 0], sizes = [1, 160], strides = [1, 1]} : vector<16x160xf32> to vector<1x160xf32>
    %slice3A_593 = vector.extract_strided_slice %select_n3A_571 {offsets = [4, 0], sizes = [1, 160], strides = [1, 1]} : vector<16x160xf32> to vector<1x160xf32>
    %slice3A_594 = vector.extract_strided_slice %select_n3A_571 {offsets = [6, 0], sizes = [1, 160], strides = [1, 1]} : vector<16x160xf32> to vector<1x160xf32>
    %slice3A_595 = vector.extract_strided_slice %select_n3A_571 {offsets = [7, 0], sizes = [1, 160], strides = [1, 1]} : vector<16x160xf32> to vector<1x160xf32>
    %slice3A_596 = vector.extract_strided_slice %select_n3A_571 {offsets = [5, 0], sizes = [1, 160], strides = [1, 1]} : vector<16x160xf32> to vector<1x160xf32>
    %concatenate3A_597 = tpu.concatenate %slice3A_581, %slice3A_582, %slice3A_583, %slice3A_584, %slice3A_585, %slice3A_586, %slice3A_587, %slice3A_588, %slice3A_589, %slice3A_590, %slice3A_591, %slice3A_592, %slice3A_593, %slice3A_594, %slice3A_595, %slice3A_596 in 0 : vector<1x160xf32>, vector<1x160xf32>, vector<1x160xf32>, vector<1x160xf32>, vector<1x160xf32>, vector<1x160xf32>, vector<1x160xf32>, vector<1x160xf32>, vector<1x160xf32>, vector<1x160xf32>, vector<1x160xf32>, vector<1x160xf32>, vector<1x160xf32>, vector<1x160xf32>, vector<1x160xf32>, vector<1x160xf32> -> vector<16x160xf32>
    %slice3A_598 = vector.extract_strided_slice %concatenate3A_580 {offsets = [0, 0], sizes = [4, 160], strides = [1, 1]} : vector<16x160xf32> to vector<4x160xf32>
    %slice3A_599 = vector.extract_strided_slice %concatenate3A_580 {offsets = [8, 0], sizes = [4, 160], strides = [1, 1]} : vector<16x160xf32> to vector<4x160xf32>
    %slice3A_600 = vector.extract_strided_slice %concatenate3A_580 {offsets = [12, 0], sizes = [4, 160], strides = [1, 1]} : vector<16x160xf32> to vector<4x160xf32>
    %slice3A_601 = vector.extract_strided_slice %concatenate3A_580 {offsets = [4, 0], sizes = [4, 160], strides = [1, 1]} : vector<16x160xf32> to vector<4x160xf32>
    %concatenate3A_602 = tpu.concatenate %slice3A_598, %slice3A_599, %slice3A_600, %slice3A_601 in 0 : vector<4x160xf32>, vector<4x160xf32>, vector<4x160xf32>, vector<4x160xf32> -> vector<16x160xf32>
    %slice3A_603 = vector.extract_strided_slice %concatenate3A_597 {offsets = [0, 0], sizes = [1, 160], strides = [1, 1]} : vector<16x160xf32> to vector<1x160xf32>
    %slice3A_604 = vector.extract_strided_slice %concatenate3A_597 {offsets = [5, 0], sizes = [1, 160], strides = [1, 1]} : vector<16x160xf32> to vector<1x160xf32>
    %concatenate3A_605 = tpu.concatenate %slice3A_603, %slice3A_604 in 0 : vector<1x160xf32>, vector<1x160xf32> -> vector<2x160xf32>
    %slice3A_606 = vector.extract_strided_slice %concatenate3A_597 {offsets = [10, 0], sizes = [1, 160], strides = [1, 1]} : vector<16x160xf32> to vector<1x160xf32>
    %slice3A_607 = vector.extract_strided_slice %concatenate3A_597 {offsets = [15, 0], sizes = [1, 160], strides = [1, 1]} : vector<16x160xf32> to vector<1x160xf32>
    %concatenate3A_608 = tpu.concatenate %slice3A_606, %slice3A_607 in 0 : vector<1x160xf32>, vector<1x160xf32> -> vector<2x160xf32>
    %slice3A_609 = vector.extract_strided_slice %concatenate3A_597 {offsets = [2, 0], sizes = [1, 160], strides = [1, 1]} : vector<16x160xf32> to vector<1x160xf32>
    %slice3A_610 = vector.extract_strided_slice %concatenate3A_597 {offsets = [7, 0], sizes = [1, 160], strides = [1, 1]} : vector<16x160xf32> to vector<1x160xf32>
    %concatenate3A_611 = tpu.concatenate %slice3A_609, %slice3A_610 in 0 : vector<1x160xf32>, vector<1x160xf32> -> vector<2x160xf32>
    %eq3A_612 = arith.constant 0.000000e+00 : f32
    %eq3A_613 = vector.broadcast %eq3A_612 : f32 to vector<2x160xf32>
    %eq3A_614 = arith.cmpf oeq, %concatenate3A_611, %eq3A_613 : vector<2x160xf32>
    %jit3A_615 = arith.constant 1.000000e+00 : f32
    %broadcast_in_dim3A_616 = vector.broadcast %jit3A_615 : f32 to vector<2x160xf32>
    %select_n3A_617 = arith.select %eq3A_614, %broadcast_in_dim3A_616, %concatenate3A_611 : vector<2x160xi1>, vector<2x160xf32>
    %sub3A_618 = arith.subf %concatenate3A_608, %concatenate3A_605 : vector<2x160xf32>
    %mul3A_619 = arith.constant 2.000000e+00 : f32
    %mul3A_620 = vector.broadcast %mul3A_619 : f32 to vector<2x160xf32>
    %mul3A_621 = arith.mulf %mul3A_620, %select_n3A_617 : vector<2x160xf32>
    %div3A_622 = arith.divf %sub3A_618, %mul3A_621 : vector<2x160xf32>
    %sign3A_623 = tpu.bitcast %div3A_622 : vector<2x160xf32> -> vector<2x160xi32>
    %sign3A_624 = arith.constant -2147483648 : i32
    %sign3A_625 = vector.broadcast %sign3A_624 : i32 to vector<2x160xi32>
    %sign3A_626 = arith.andi %sign3A_623, %sign3A_625 : vector<2x160xi32>
    %sign3A_627 = arith.constant 1065353216 : i32
    %sign3A_628 = vector.broadcast %sign3A_627 : i32 to vector<2x160xi32>
    %sign3A_629 = arith.ori %sign3A_628, %sign3A_626 : vector<2x160xi32>
    %sign3A_630 = tpu.bitcast %sign3A_629 : vector<2x160xi32> -> vector<2x160xf32>
    %sign3A_631 = math.absf %div3A_622 : vector<2x160xf32>
    %sign3A_632 = arith.constant 0.000000e+00 : f32
    %sign3A_633 = vector.broadcast %sign3A_632 : f32 to vector<2x160xf32>
    %sign3A_634 = arith.cmpf ogt, %sign3A_631, %sign3A_633 : vector<2x160xf32>
    %sign3A_635 = arith.select %sign3A_634, %sign3A_630, %div3A_622 : vector<2x160xi1>, vector<2x160xf32>
    %abs3A_636 = math.absf %div3A_622 : vector<2x160xf32>
    %mul3A_637 = arith.mulf %div3A_622, %div3A_622 : vector<2x160xf32>
    %add3A_638 = arith.constant 1.000000e+00 : f32
    %add3A_639 = vector.broadcast %add3A_638 : f32 to vector<2x160xf32>
    %add3A_640 = arith.addf %add3A_639, %mul3A_637 : vector<2x160xf32>
    %sqrt3A_641 = math.sqrt %add3A_640 : vector<2x160xf32>
    %add3A_642 = arith.addf %abs3A_636, %sqrt3A_641 : vector<2x160xf32>
    %div3A_643 = arith.divf %sign3A_635, %add3A_642 : vector<2x160xf32>
    %jit3A_644 = arith.constant 0.000000e+00 : f32
    %broadcast_in_dim3A_645 = vector.broadcast %jit3A_644 : f32 to vector<2x160xf32>
    %select_n3A_646 = arith.select %eq3A_614, %broadcast_in_dim3A_645, %div3A_643 : vector<2x160xi1>, vector<2x160xf32>
    %mul3A_647 = arith.mulf %select_n3A_646, %select_n3A_646 : vector<2x160xf32>
    %add3A_648 = arith.constant 1.000000e+00 : f32
    %add3A_649 = vector.broadcast %add3A_648 : f32 to vector<2x160xf32>
    %add3A_650 = arith.addf %add3A_649, %mul3A_647 : vector<2x160xf32>
    %sqrt3A_651 = math.sqrt %add3A_650 : vector<2x160xf32>
    %div3A_652 = arith.constant 1.000000e+00 : f32
    %div3A_653 = vector.broadcast %div3A_652 : f32 to vector<2x160xf32>
    %div3A_654 = arith.divf %div3A_653, %sqrt3A_651 : vector<2x160xf32>
    %mul3A_655 = arith.mulf %select_n3A_646, %div3A_654 : vector<2x160xf32>
    %slice3A_656 = vector.extract_strided_slice %div3A_654 {offsets = [0, 0], sizes = [1, 160], strides = [1, 1]} : vector<2x160xf32> to vector<1x160xf32>
    %slice3A_657 = vector.extract_strided_slice %div3A_654 {offsets = [1, 0], sizes = [1, 160], strides = [1, 1]} : vector<2x160xf32> to vector<1x160xf32>
    %slice3A_658 = vector.extract_strided_slice %mul3A_655 {offsets = [0, 0], sizes = [1, 160], strides = [1, 1]} : vector<2x160xf32> to vector<1x160xf32>
    %slice3A_659 = vector.extract_strided_slice %mul3A_655 {offsets = [1, 0], sizes = [1, 160], strides = [1, 1]} : vector<2x160xf32> to vector<1x160xf32>
    %broadcast_in_dim3A_660 = vector.shape_cast %slice3A_656 : vector<1x160xf32> to vector<1x160xf32>
    %broadcast_in_dim3A_661 = vector.broadcast %broadcast_in_dim3A_660 : vector<1x160xf32> to vector<4x160xf32>
    %broadcast_in_dim3A_662 = vector.shape_cast %slice3A_657 : vector<1x160xf32> to vector<1x160xf32>
    %broadcast_in_dim3A_663 = vector.broadcast %broadcast_in_dim3A_662 : vector<1x160xf32> to vector<4x160xf32>
    %concatenate3A_664 = tpu.concatenate %broadcast_in_dim3A_661, %broadcast_in_dim3A_663 in 0 : vector<4x160xf32>, vector<4x160xf32> -> vector<8x160xf32>
    %broadcast_in_dim3A_665 = vector.shape_cast %slice3A_658 : vector<1x160xf32> to vector<1x160xf32>
    %broadcast_in_dim3A_666 = vector.broadcast %broadcast_in_dim3A_665 : vector<1x160xf32> to vector<4x160xf32>
    %broadcast_in_dim3A_667 = vector.shape_cast %slice3A_659 : vector<1x160xf32> to vector<1x160xf32>
    %broadcast_in_dim3A_668 = vector.broadcast %broadcast_in_dim3A_667 : vector<1x160xf32> to vector<4x160xf32>
    %concatenate3A_669 = tpu.concatenate %broadcast_in_dim3A_666, %broadcast_in_dim3A_668 in 0 : vector<4x160xf32>, vector<4x160xf32> -> vector<8x160xf32>
    %concatenate3A_670 = tpu.concatenate %slice3A_656, %slice3A_657 in 0 : vector<1x160xf32>, vector<1x160xf32> -> vector<2x160xf32>
    %concatenate3A_671 = tpu.concatenate %slice3A_658, %slice3A_659 in 0 : vector<1x160xf32>, vector<1x160xf32> -> vector<2x160xf32>
    %concatenate3A_672 = tpu.concatenate %concatenate3A_670, %concatenate3A_670, %concatenate3A_670, %concatenate3A_670, %concatenate3A_670, %concatenate3A_670, %concatenate3A_670, %concatenate3A_670 in 0 : vector<2x160xf32>, vector<2x160xf32>, vector<2x160xf32>, vector<2x160xf32>, vector<2x160xf32>, vector<2x160xf32>, vector<2x160xf32>, vector<2x160xf32> -> vector<16x160xf32>
    %concatenate3A_673 = tpu.concatenate %concatenate3A_671, %concatenate3A_671, %concatenate3A_671, %concatenate3A_671, %concatenate3A_671, %concatenate3A_671, %concatenate3A_671, %concatenate3A_671 in 0 : vector<2x160xf32>, vector<2x160xf32>, vector<2x160xf32>, vector<2x160xf32>, vector<2x160xf32>, vector<2x160xf32>, vector<2x160xf32>, vector<2x160xf32> -> vector<16x160xf32>
    %slice3A_674 = vector.extract_strided_slice %concatenate3A_597 {offsets = [0, 0], sizes = [8, 160], strides = [1, 1]} : vector<16x160xf32> to vector<8x160xf32>
    %slice3A_675 = vector.extract_strided_slice %concatenate3A_597 {offsets = [8, 0], sizes = [8, 160], strides = [1, 1]} : vector<16x160xf32> to vector<8x160xf32>
    %mul3A_676 = arith.mulf %concatenate3A_664, %slice3A_674 : vector<8x160xf32>
    %mul3A_677 = arith.mulf %concatenate3A_669, %slice3A_675 : vector<8x160xf32>
    %sub3A_678 = arith.subf %mul3A_676, %mul3A_677 : vector<8x160xf32>
    %mul3A_679 = arith.mulf %concatenate3A_669, %slice3A_674 : vector<8x160xf32>
    %mul3A_680 = arith.mulf %concatenate3A_664, %slice3A_675 : vector<8x160xf32>
    %add3A_681 = arith.addf %mul3A_679, %mul3A_680 : vector<8x160xf32>
    %concatenate3A_682 = tpu.concatenate %sub3A_678, %add3A_681 in 0 : vector<8x160xf32>, vector<8x160xf32> -> vector<16x160xf32>
    %slice3A_683 = vector.extract_strided_slice %concatenate3A_682 {offsets = [2, 0], sizes = [14, 160], strides = [1, 1]} : vector<16x160xf32> to vector<14x160xf32>
    %slice3A_684 = vector.extract_strided_slice %concatenate3A_682 {offsets = [0, 0], sizes = [2, 160], strides = [1, 1]} : vector<16x160xf32> to vector<2x160xf32>
    %concatenate3A_685 = tpu.concatenate %slice3A_683, %slice3A_684 in 0 : vector<14x160xf32>, vector<2x160xf32> -> vector<16x160xf32>
    %slice3A_686 = vector.extract_strided_slice %concatenate3A_682 {offsets = [14, 0], sizes = [2, 160], strides = [1, 1]} : vector<16x160xf32> to vector<2x160xf32>
    %slice3A_687 = vector.extract_strided_slice %concatenate3A_682 {offsets = [0, 0], sizes = [14, 160], strides = [1, 1]} : vector<16x160xf32> to vector<14x160xf32>
    %concatenate3A_688 = tpu.concatenate %slice3A_686, %slice3A_687 in 0 : vector<2x160xf32>, vector<14x160xf32> -> vector<16x160xf32>
    %mul3A_689 = arith.mulf %concatenate3A_672, %concatenate3A_682 : vector<16x160xf32>
    %mul3A_690 = arith.mulf %concatenate3A_673, %concatenate3A_685 : vector<16x160xf32>
    %sub3A_691 = arith.subf %mul3A_689, %mul3A_690 : vector<16x160xf32>
    %mul3A_692 = arith.mulf %concatenate3A_672, %concatenate3A_682 : vector<16x160xf32>
    %mul3A_693 = arith.mulf %concatenate3A_673, %concatenate3A_688 : vector<16x160xf32>
    %add3A_694 = arith.addf %mul3A_692, %mul3A_693 : vector<16x160xf32>
    %select_n3A_695 = arith.select %lt3A_232, %sub3A_691, %add3A_694 : vector<16x160xi1>, vector<16x160xf32>
    %slice3A_696 = vector.extract_strided_slice %concatenate3A_602 {offsets = [0, 0], sizes = [8, 160], strides = [1, 1]} : vector<16x160xf32> to vector<8x160xf32>
    %slice3A_697 = vector.extract_strided_slice %concatenate3A_602 {offsets = [8, 0], sizes = [8, 160], strides = [1, 1]} : vector<16x160xf32> to vector<8x160xf32>
    %mul3A_698 = arith.mulf %concatenate3A_664, %slice3A_696 : vector<8x160xf32>
    %mul3A_699 = arith.mulf %concatenate3A_669, %slice3A_697 : vector<8x160xf32>
    %sub3A_700 = arith.subf %mul3A_698, %mul3A_699 : vector<8x160xf32>
    %mul3A_701 = arith.mulf %concatenate3A_669, %slice3A_696 : vector<8x160xf32>
    %mul3A_702 = arith.mulf %concatenate3A_664, %slice3A_697 : vector<8x160xf32>
    %add3A_703 = arith.addf %mul3A_701, %mul3A_702 : vector<8x160xf32>
    %concatenate3A_704 = tpu.concatenate %sub3A_700, %add3A_703 in 0 : vector<8x160xf32>, vector<8x160xf32> -> vector<16x160xf32>
    %slice3A_705 = vector.extract_strided_slice %select_n3A_695 {offsets = [0, 0], sizes = [1, 160], strides = [1, 1]} : vector<16x160xf32> to vector<1x160xf32>
    %slice3A_706 = vector.extract_strided_slice %select_n3A_695 {offsets = [2, 0], sizes = [1, 160], strides = [1, 1]} : vector<16x160xf32> to vector<1x160xf32>
    %slice3A_707 = vector.extract_strided_slice %select_n3A_695 {offsets = [3, 0], sizes = [1, 160], strides = [1, 1]} : vector<16x160xf32> to vector<1x160xf32>
    %slice3A_708 = vector.extract_strided_slice %select_n3A_695 {offsets = [1, 0], sizes = [1, 160], strides = [1, 1]} : vector<16x160xf32> to vector<1x160xf32>
    %slice3A_709 = vector.extract_strided_slice %select_n3A_695 {offsets = [8, 0], sizes = [1, 160], strides = [1, 1]} : vector<16x160xf32> to vector<1x160xf32>
    %slice3A_710 = vector.extract_strided_slice %select_n3A_695 {offsets = [10, 0], sizes = [1, 160], strides = [1, 1]} : vector<16x160xf32> to vector<1x160xf32>
    %slice3A_711 = vector.extract_strided_slice %select_n3A_695 {offsets = [11, 0], sizes = [1, 160], strides = [1, 1]} : vector<16x160xf32> to vector<1x160xf32>
    %slice3A_712 = vector.extract_strided_slice %select_n3A_695 {offsets = [9, 0], sizes = [1, 160], strides = [1, 1]} : vector<16x160xf32> to vector<1x160xf32>
    %slice3A_713 = vector.extract_strided_slice %select_n3A_695 {offsets = [12, 0], sizes = [1, 160], strides = [1, 1]} : vector<16x160xf32> to vector<1x160xf32>
    %slice3A_714 = vector.extract_strided_slice %select_n3A_695 {offsets = [14, 0], sizes = [1, 160], strides = [1, 1]} : vector<16x160xf32> to vector<1x160xf32>
    %slice3A_715 = vector.extract_strided_slice %select_n3A_695 {offsets = [15, 0], sizes = [1, 160], strides = [1, 1]} : vector<16x160xf32> to vector<1x160xf32>
    %slice3A_716 = vector.extract_strided_slice %select_n3A_695 {offsets = [13, 0], sizes = [1, 160], strides = [1, 1]} : vector<16x160xf32> to vector<1x160xf32>
    %slice3A_717 = vector.extract_strided_slice %select_n3A_695 {offsets = [4, 0], sizes = [1, 160], strides = [1, 1]} : vector<16x160xf32> to vector<1x160xf32>
    %slice3A_718 = vector.extract_strided_slice %select_n3A_695 {offsets = [6, 0], sizes = [1, 160], strides = [1, 1]} : vector<16x160xf32> to vector<1x160xf32>
    %slice3A_719 = vector.extract_strided_slice %select_n3A_695 {offsets = [7, 0], sizes = [1, 160], strides = [1, 1]} : vector<16x160xf32> to vector<1x160xf32>
    %slice3A_720 = vector.extract_strided_slice %select_n3A_695 {offsets = [5, 0], sizes = [1, 160], strides = [1, 1]} : vector<16x160xf32> to vector<1x160xf32>
    %concatenate3A_721 = tpu.concatenate %slice3A_705, %slice3A_706, %slice3A_707, %slice3A_708, %slice3A_709, %slice3A_710, %slice3A_711, %slice3A_712, %slice3A_713, %slice3A_714, %slice3A_715, %slice3A_716, %slice3A_717, %slice3A_718, %slice3A_719, %slice3A_720 in 0 : vector<1x160xf32>, vector<1x160xf32>, vector<1x160xf32>, vector<1x160xf32>, vector<1x160xf32>, vector<1x160xf32>, vector<1x160xf32>, vector<1x160xf32>, vector<1x160xf32>, vector<1x160xf32>, vector<1x160xf32>, vector<1x160xf32>, vector<1x160xf32>, vector<1x160xf32>, vector<1x160xf32>, vector<1x160xf32> -> vector<16x160xf32>
    %slice3A_722 = vector.extract_strided_slice %concatenate3A_704 {offsets = [0, 0], sizes = [4, 160], strides = [1, 1]} : vector<16x160xf32> to vector<4x160xf32>
    %slice3A_723 = vector.extract_strided_slice %concatenate3A_704 {offsets = [8, 0], sizes = [4, 160], strides = [1, 1]} : vector<16x160xf32> to vector<4x160xf32>
    %slice3A_724 = vector.extract_strided_slice %concatenate3A_704 {offsets = [12, 0], sizes = [4, 160], strides = [1, 1]} : vector<16x160xf32> to vector<4x160xf32>
    %slice3A_725 = vector.extract_strided_slice %concatenate3A_704 {offsets = [4, 0], sizes = [4, 160], strides = [1, 1]} : vector<16x160xf32> to vector<4x160xf32>
    %concatenate3A_726 = tpu.concatenate %slice3A_722, %slice3A_723, %slice3A_724, %slice3A_725 in 0 : vector<4x160xf32>, vector<4x160xf32>, vector<4x160xf32>, vector<4x160xf32> -> vector<16x160xf32>
    %slice3A_727 = vector.extract_strided_slice %concatenate3A_721 {offsets = [0, 0], sizes = [1, 160], strides = [1, 1]} : vector<16x160xf32> to vector<1x160xf32>
    %slice3A_728 = vector.extract_strided_slice %concatenate3A_721 {offsets = [5, 0], sizes = [1, 160], strides = [1, 1]} : vector<16x160xf32> to vector<1x160xf32>
    %concatenate3A_729 = tpu.concatenate %slice3A_727, %slice3A_728 in 0 : vector<1x160xf32>, vector<1x160xf32> -> vector<2x160xf32>
    %slice3A_730 = vector.extract_strided_slice %concatenate3A_721 {offsets = [10, 0], sizes = [1, 160], strides = [1, 1]} : vector<16x160xf32> to vector<1x160xf32>
    %slice3A_731 = vector.extract_strided_slice %concatenate3A_721 {offsets = [15, 0], sizes = [1, 160], strides = [1, 1]} : vector<16x160xf32> to vector<1x160xf32>
    %concatenate3A_732 = tpu.concatenate %slice3A_730, %slice3A_731 in 0 : vector<1x160xf32>, vector<1x160xf32> -> vector<2x160xf32>
    %slice3A_733 = vector.extract_strided_slice %concatenate3A_721 {offsets = [2, 0], sizes = [1, 160], strides = [1, 1]} : vector<16x160xf32> to vector<1x160xf32>
    %slice3A_734 = vector.extract_strided_slice %concatenate3A_721 {offsets = [7, 0], sizes = [1, 160], strides = [1, 1]} : vector<16x160xf32> to vector<1x160xf32>
    %concatenate3A_735 = tpu.concatenate %slice3A_733, %slice3A_734 in 0 : vector<1x160xf32>, vector<1x160xf32> -> vector<2x160xf32>
    %eq3A_736 = arith.constant 0.000000e+00 : f32
    %eq3A_737 = vector.broadcast %eq3A_736 : f32 to vector<2x160xf32>
    %eq3A_738 = arith.cmpf oeq, %concatenate3A_735, %eq3A_737 : vector<2x160xf32>
    %jit3A_739 = arith.constant 1.000000e+00 : f32
    %broadcast_in_dim3A_740 = vector.broadcast %jit3A_739 : f32 to vector<2x160xf32>
    %select_n3A_741 = arith.select %eq3A_738, %broadcast_in_dim3A_740, %concatenate3A_735 : vector<2x160xi1>, vector<2x160xf32>
    %sub3A_742 = arith.subf %concatenate3A_732, %concatenate3A_729 : vector<2x160xf32>
    %mul3A_743 = arith.constant 2.000000e+00 : f32
    %mul3A_744 = vector.broadcast %mul3A_743 : f32 to vector<2x160xf32>
    %mul3A_745 = arith.mulf %mul3A_744, %select_n3A_741 : vector<2x160xf32>
    %div3A_746 = arith.divf %sub3A_742, %mul3A_745 : vector<2x160xf32>
    %sign3A_747 = tpu.bitcast %div3A_746 : vector<2x160xf32> -> vector<2x160xi32>
    %sign3A_748 = arith.constant -2147483648 : i32
    %sign3A_749 = vector.broadcast %sign3A_748 : i32 to vector<2x160xi32>
    %sign3A_750 = arith.andi %sign3A_747, %sign3A_749 : vector<2x160xi32>
    %sign3A_751 = arith.constant 1065353216 : i32
    %sign3A_752 = vector.broadcast %sign3A_751 : i32 to vector<2x160xi32>
    %sign3A_753 = arith.ori %sign3A_752, %sign3A_750 : vector<2x160xi32>
    %sign3A_754 = tpu.bitcast %sign3A_753 : vector<2x160xi32> -> vector<2x160xf32>
    %sign3A_755 = math.absf %div3A_746 : vector<2x160xf32>
    %sign3A_756 = arith.constant 0.000000e+00 : f32
    %sign3A_757 = vector.broadcast %sign3A_756 : f32 to vector<2x160xf32>
    %sign3A_758 = arith.cmpf ogt, %sign3A_755, %sign3A_757 : vector<2x160xf32>
    %sign3A_759 = arith.select %sign3A_758, %sign3A_754, %div3A_746 : vector<2x160xi1>, vector<2x160xf32>
    %abs3A_760 = math.absf %div3A_746 : vector<2x160xf32>
    %mul3A_761 = arith.mulf %div3A_746, %div3A_746 : vector<2x160xf32>
    %add3A_762 = arith.constant 1.000000e+00 : f32
    %add3A_763 = vector.broadcast %add3A_762 : f32 to vector<2x160xf32>
    %add3A_764 = arith.addf %add3A_763, %mul3A_761 : vector<2x160xf32>
    %sqrt3A_765 = math.sqrt %add3A_764 : vector<2x160xf32>
    %add3A_766 = arith.addf %abs3A_760, %sqrt3A_765 : vector<2x160xf32>
    %div3A_767 = arith.divf %sign3A_759, %add3A_766 : vector<2x160xf32>
    %jit3A_768 = arith.constant 0.000000e+00 : f32
    %broadcast_in_dim3A_769 = vector.broadcast %jit3A_768 : f32 to vector<2x160xf32>
    %select_n3A_770 = arith.select %eq3A_738, %broadcast_in_dim3A_769, %div3A_767 : vector<2x160xi1>, vector<2x160xf32>
    %mul3A_771 = arith.mulf %select_n3A_770, %select_n3A_770 : vector<2x160xf32>
    %add3A_772 = arith.constant 1.000000e+00 : f32
    %add3A_773 = vector.broadcast %add3A_772 : f32 to vector<2x160xf32>
    %add3A_774 = arith.addf %add3A_773, %mul3A_771 : vector<2x160xf32>
    %sqrt3A_775 = math.sqrt %add3A_774 : vector<2x160xf32>
    %div3A_776 = arith.constant 1.000000e+00 : f32
    %div3A_777 = vector.broadcast %div3A_776 : f32 to vector<2x160xf32>
    %div3A_778 = arith.divf %div3A_777, %sqrt3A_775 : vector<2x160xf32>
    %mul3A_779 = arith.mulf %select_n3A_770, %div3A_778 : vector<2x160xf32>
    %slice3A_780 = vector.extract_strided_slice %div3A_778 {offsets = [0, 0], sizes = [1, 160], strides = [1, 1]} : vector<2x160xf32> to vector<1x160xf32>
    %slice3A_781 = vector.extract_strided_slice %div3A_778 {offsets = [1, 0], sizes = [1, 160], strides = [1, 1]} : vector<2x160xf32> to vector<1x160xf32>
    %slice3A_782 = vector.extract_strided_slice %mul3A_779 {offsets = [0, 0], sizes = [1, 160], strides = [1, 1]} : vector<2x160xf32> to vector<1x160xf32>
    %slice3A_783 = vector.extract_strided_slice %mul3A_779 {offsets = [1, 0], sizes = [1, 160], strides = [1, 1]} : vector<2x160xf32> to vector<1x160xf32>
    %broadcast_in_dim3A_784 = vector.shape_cast %slice3A_780 : vector<1x160xf32> to vector<1x160xf32>
    %broadcast_in_dim3A_785 = vector.broadcast %broadcast_in_dim3A_784 : vector<1x160xf32> to vector<4x160xf32>
    %broadcast_in_dim3A_786 = vector.shape_cast %slice3A_781 : vector<1x160xf32> to vector<1x160xf32>
    %broadcast_in_dim3A_787 = vector.broadcast %broadcast_in_dim3A_786 : vector<1x160xf32> to vector<4x160xf32>
    %concatenate3A_788 = tpu.concatenate %broadcast_in_dim3A_785, %broadcast_in_dim3A_787 in 0 : vector<4x160xf32>, vector<4x160xf32> -> vector<8x160xf32>
    %broadcast_in_dim3A_789 = vector.shape_cast %slice3A_782 : vector<1x160xf32> to vector<1x160xf32>
    %broadcast_in_dim3A_790 = vector.broadcast %broadcast_in_dim3A_789 : vector<1x160xf32> to vector<4x160xf32>
    %broadcast_in_dim3A_791 = vector.shape_cast %slice3A_783 : vector<1x160xf32> to vector<1x160xf32>
    %broadcast_in_dim3A_792 = vector.broadcast %broadcast_in_dim3A_791 : vector<1x160xf32> to vector<4x160xf32>
    %concatenate3A_793 = tpu.concatenate %broadcast_in_dim3A_790, %broadcast_in_dim3A_792 in 0 : vector<4x160xf32>, vector<4x160xf32> -> vector<8x160xf32>
    %concatenate3A_794 = tpu.concatenate %slice3A_780, %slice3A_781 in 0 : vector<1x160xf32>, vector<1x160xf32> -> vector<2x160xf32>
    %concatenate3A_795 = tpu.concatenate %slice3A_782, %slice3A_783 in 0 : vector<1x160xf32>, vector<1x160xf32> -> vector<2x160xf32>
    %concatenate3A_796 = tpu.concatenate %concatenate3A_794, %concatenate3A_794, %concatenate3A_794, %concatenate3A_794, %concatenate3A_794, %concatenate3A_794, %concatenate3A_794, %concatenate3A_794 in 0 : vector<2x160xf32>, vector<2x160xf32>, vector<2x160xf32>, vector<2x160xf32>, vector<2x160xf32>, vector<2x160xf32>, vector<2x160xf32>, vector<2x160xf32> -> vector<16x160xf32>
    %concatenate3A_797 = tpu.concatenate %concatenate3A_795, %concatenate3A_795, %concatenate3A_795, %concatenate3A_795, %concatenate3A_795, %concatenate3A_795, %concatenate3A_795, %concatenate3A_795 in 0 : vector<2x160xf32>, vector<2x160xf32>, vector<2x160xf32>, vector<2x160xf32>, vector<2x160xf32>, vector<2x160xf32>, vector<2x160xf32>, vector<2x160xf32> -> vector<16x160xf32>
    %slice3A_798 = vector.extract_strided_slice %concatenate3A_721 {offsets = [0, 0], sizes = [8, 160], strides = [1, 1]} : vector<16x160xf32> to vector<8x160xf32>
    %slice3A_799 = vector.extract_strided_slice %concatenate3A_721 {offsets = [8, 0], sizes = [8, 160], strides = [1, 1]} : vector<16x160xf32> to vector<8x160xf32>
    %mul3A_800 = arith.mulf %concatenate3A_788, %slice3A_798 : vector<8x160xf32>
    %mul3A_801 = arith.mulf %concatenate3A_793, %slice3A_799 : vector<8x160xf32>
    %sub3A_802 = arith.subf %mul3A_800, %mul3A_801 : vector<8x160xf32>
    %mul3A_803 = arith.mulf %concatenate3A_793, %slice3A_798 : vector<8x160xf32>
    %mul3A_804 = arith.mulf %concatenate3A_788, %slice3A_799 : vector<8x160xf32>
    %add3A_805 = arith.addf %mul3A_803, %mul3A_804 : vector<8x160xf32>
    %concatenate3A_806 = tpu.concatenate %sub3A_802, %add3A_805 in 0 : vector<8x160xf32>, vector<8x160xf32> -> vector<16x160xf32>
    %slice3A_807 = vector.extract_strided_slice %concatenate3A_806 {offsets = [2, 0], sizes = [14, 160], strides = [1, 1]} : vector<16x160xf32> to vector<14x160xf32>
    %slice3A_808 = vector.extract_strided_slice %concatenate3A_806 {offsets = [0, 0], sizes = [2, 160], strides = [1, 1]} : vector<16x160xf32> to vector<2x160xf32>
    %concatenate3A_809 = tpu.concatenate %slice3A_807, %slice3A_808 in 0 : vector<14x160xf32>, vector<2x160xf32> -> vector<16x160xf32>
    %slice3A_810 = vector.extract_strided_slice %concatenate3A_806 {offsets = [14, 0], sizes = [2, 160], strides = [1, 1]} : vector<16x160xf32> to vector<2x160xf32>
    %slice3A_811 = vector.extract_strided_slice %concatenate3A_806 {offsets = [0, 0], sizes = [14, 160], strides = [1, 1]} : vector<16x160xf32> to vector<14x160xf32>
    %concatenate3A_812 = tpu.concatenate %slice3A_810, %slice3A_811 in 0 : vector<2x160xf32>, vector<14x160xf32> -> vector<16x160xf32>
    %mul3A_813 = arith.mulf %concatenate3A_796, %concatenate3A_806 : vector<16x160xf32>
    %mul3A_814 = arith.mulf %concatenate3A_797, %concatenate3A_809 : vector<16x160xf32>
    %sub3A_815 = arith.subf %mul3A_813, %mul3A_814 : vector<16x160xf32>
    %mul3A_816 = arith.mulf %concatenate3A_796, %concatenate3A_806 : vector<16x160xf32>
    %mul3A_817 = arith.mulf %concatenate3A_797, %concatenate3A_812 : vector<16x160xf32>
    %add3A_818 = arith.addf %mul3A_816, %mul3A_817 : vector<16x160xf32>
    %select_n3A_819 = arith.select %lt3A_232, %sub3A_815, %add3A_818 : vector<16x160xi1>, vector<16x160xf32>
    %slice3A_820 = vector.extract_strided_slice %concatenate3A_726 {offsets = [0, 0], sizes = [8, 160], strides = [1, 1]} : vector<16x160xf32> to vector<8x160xf32>
    %slice3A_821 = vector.extract_strided_slice %concatenate3A_726 {offsets = [8, 0], sizes = [8, 160], strides = [1, 1]} : vector<16x160xf32> to vector<8x160xf32>
    %mul3A_822 = arith.mulf %concatenate3A_788, %slice3A_820 : vector<8x160xf32>
    %mul3A_823 = arith.mulf %concatenate3A_793, %slice3A_821 : vector<8x160xf32>
    %sub3A_824 = arith.subf %mul3A_822, %mul3A_823 : vector<8x160xf32>
    %mul3A_825 = arith.mulf %concatenate3A_793, %slice3A_820 : vector<8x160xf32>
    %mul3A_826 = arith.mulf %concatenate3A_788, %slice3A_821 : vector<8x160xf32>
    %add3A_827 = arith.addf %mul3A_825, %mul3A_826 : vector<8x160xf32>
    %concatenate3A_828 = tpu.concatenate %sub3A_824, %add3A_827 in 0 : vector<8x160xf32>, vector<8x160xf32> -> vector<16x160xf32>
    %slice3A_829 = vector.extract_strided_slice %select_n3A_819 {offsets = [0, 0], sizes = [1, 160], strides = [1, 1]} : vector<16x160xf32> to vector<1x160xf32>
    %slice3A_830 = vector.extract_strided_slice %select_n3A_819 {offsets = [2, 0], sizes = [1, 160], strides = [1, 1]} : vector<16x160xf32> to vector<1x160xf32>
    %slice3A_831 = vector.extract_strided_slice %select_n3A_819 {offsets = [3, 0], sizes = [1, 160], strides = [1, 1]} : vector<16x160xf32> to vector<1x160xf32>
    %slice3A_832 = vector.extract_strided_slice %select_n3A_819 {offsets = [1, 0], sizes = [1, 160], strides = [1, 1]} : vector<16x160xf32> to vector<1x160xf32>
    %slice3A_833 = vector.extract_strided_slice %select_n3A_819 {offsets = [8, 0], sizes = [1, 160], strides = [1, 1]} : vector<16x160xf32> to vector<1x160xf32>
    %slice3A_834 = vector.extract_strided_slice %select_n3A_819 {offsets = [10, 0], sizes = [1, 160], strides = [1, 1]} : vector<16x160xf32> to vector<1x160xf32>
    %slice3A_835 = vector.extract_strided_slice %select_n3A_819 {offsets = [11, 0], sizes = [1, 160], strides = [1, 1]} : vector<16x160xf32> to vector<1x160xf32>
    %slice3A_836 = vector.extract_strided_slice %select_n3A_819 {offsets = [9, 0], sizes = [1, 160], strides = [1, 1]} : vector<16x160xf32> to vector<1x160xf32>
    %slice3A_837 = vector.extract_strided_slice %select_n3A_819 {offsets = [12, 0], sizes = [1, 160], strides = [1, 1]} : vector<16x160xf32> to vector<1x160xf32>
    %slice3A_838 = vector.extract_strided_slice %select_n3A_819 {offsets = [14, 0], sizes = [1, 160], strides = [1, 1]} : vector<16x160xf32> to vector<1x160xf32>
    %slice3A_839 = vector.extract_strided_slice %select_n3A_819 {offsets = [15, 0], sizes = [1, 160], strides = [1, 1]} : vector<16x160xf32> to vector<1x160xf32>
    %slice3A_840 = vector.extract_strided_slice %select_n3A_819 {offsets = [13, 0], sizes = [1, 160], strides = [1, 1]} : vector<16x160xf32> to vector<1x160xf32>
    %slice3A_841 = vector.extract_strided_slice %select_n3A_819 {offsets = [4, 0], sizes = [1, 160], strides = [1, 1]} : vector<16x160xf32> to vector<1x160xf32>
    %slice3A_842 = vector.extract_strided_slice %select_n3A_819 {offsets = [6, 0], sizes = [1, 160], strides = [1, 1]} : vector<16x160xf32> to vector<1x160xf32>
    %slice3A_843 = vector.extract_strided_slice %select_n3A_819 {offsets = [7, 0], sizes = [1, 160], strides = [1, 1]} : vector<16x160xf32> to vector<1x160xf32>
    %slice3A_844 = vector.extract_strided_slice %select_n3A_819 {offsets = [5, 0], sizes = [1, 160], strides = [1, 1]} : vector<16x160xf32> to vector<1x160xf32>
    %concatenate3A_845 = tpu.concatenate %slice3A_829, %slice3A_830, %slice3A_831, %slice3A_832, %slice3A_833, %slice3A_834, %slice3A_835, %slice3A_836, %slice3A_837, %slice3A_838, %slice3A_839, %slice3A_840, %slice3A_841, %slice3A_842, %slice3A_843, %slice3A_844 in 0 : vector<1x160xf32>, vector<1x160xf32>, vector<1x160xf32>, vector<1x160xf32>, vector<1x160xf32>, vector<1x160xf32>, vector<1x160xf32>, vector<1x160xf32>, vector<1x160xf32>, vector<1x160xf32>, vector<1x160xf32>, vector<1x160xf32>, vector<1x160xf32>, vector<1x160xf32>, vector<1x160xf32>, vector<1x160xf32> -> vector<16x160xf32>
    %slice3A_846 = vector.extract_strided_slice %concatenate3A_828 {offsets = [0, 0], sizes = [4, 160], strides = [1, 1]} : vector<16x160xf32> to vector<4x160xf32>
    %slice3A_847 = vector.extract_strided_slice %concatenate3A_828 {offsets = [8, 0], sizes = [4, 160], strides = [1, 1]} : vector<16x160xf32> to vector<4x160xf32>
    %slice3A_848 = vector.extract_strided_slice %concatenate3A_828 {offsets = [12, 0], sizes = [4, 160], strides = [1, 1]} : vector<16x160xf32> to vector<4x160xf32>
    %slice3A_849 = vector.extract_strided_slice %concatenate3A_828 {offsets = [4, 0], sizes = [4, 160], strides = [1, 1]} : vector<16x160xf32> to vector<4x160xf32>
    %concatenate3A_850 = tpu.concatenate %slice3A_846, %slice3A_847, %slice3A_848, %slice3A_849 in 0 : vector<4x160xf32>, vector<4x160xf32>, vector<4x160xf32>, vector<4x160xf32> -> vector<16x160xf32>
    %slice3A_851 = vector.extract_strided_slice %concatenate3A_845 {offsets = [0, 0], sizes = [1, 160], strides = [1, 1]} : vector<16x160xf32> to vector<1x160xf32>
    %slice3A_852 = vector.extract_strided_slice %concatenate3A_845 {offsets = [5, 0], sizes = [1, 160], strides = [1, 1]} : vector<16x160xf32> to vector<1x160xf32>
    %concatenate3A_853 = tpu.concatenate %slice3A_851, %slice3A_852 in 0 : vector<1x160xf32>, vector<1x160xf32> -> vector<2x160xf32>
    %slice3A_854 = vector.extract_strided_slice %concatenate3A_845 {offsets = [10, 0], sizes = [1, 160], strides = [1, 1]} : vector<16x160xf32> to vector<1x160xf32>
    %slice3A_855 = vector.extract_strided_slice %concatenate3A_845 {offsets = [15, 0], sizes = [1, 160], strides = [1, 1]} : vector<16x160xf32> to vector<1x160xf32>
    %concatenate3A_856 = tpu.concatenate %slice3A_854, %slice3A_855 in 0 : vector<1x160xf32>, vector<1x160xf32> -> vector<2x160xf32>
    %slice3A_857 = vector.extract_strided_slice %concatenate3A_845 {offsets = [2, 0], sizes = [1, 160], strides = [1, 1]} : vector<16x160xf32> to vector<1x160xf32>
    %slice3A_858 = vector.extract_strided_slice %concatenate3A_845 {offsets = [7, 0], sizes = [1, 160], strides = [1, 1]} : vector<16x160xf32> to vector<1x160xf32>
    %concatenate3A_859 = tpu.concatenate %slice3A_857, %slice3A_858 in 0 : vector<1x160xf32>, vector<1x160xf32> -> vector<2x160xf32>
    %eq3A_860 = arith.constant 0.000000e+00 : f32
    %eq3A_861 = vector.broadcast %eq3A_860 : f32 to vector<2x160xf32>
    %eq3A_862 = arith.cmpf oeq, %concatenate3A_859, %eq3A_861 : vector<2x160xf32>
    %jit3A_863 = arith.constant 1.000000e+00 : f32
    %broadcast_in_dim3A_864 = vector.broadcast %jit3A_863 : f32 to vector<2x160xf32>
    %select_n3A_865 = arith.select %eq3A_862, %broadcast_in_dim3A_864, %concatenate3A_859 : vector<2x160xi1>, vector<2x160xf32>
    %sub3A_866 = arith.subf %concatenate3A_856, %concatenate3A_853 : vector<2x160xf32>
    %mul3A_867 = arith.constant 2.000000e+00 : f32
    %mul3A_868 = vector.broadcast %mul3A_867 : f32 to vector<2x160xf32>
    %mul3A_869 = arith.mulf %mul3A_868, %select_n3A_865 : vector<2x160xf32>
    %div3A_870 = arith.divf %sub3A_866, %mul3A_869 : vector<2x160xf32>
    %sign3A_871 = tpu.bitcast %div3A_870 : vector<2x160xf32> -> vector<2x160xi32>
    %sign3A_872 = arith.constant -2147483648 : i32
    %sign3A_873 = vector.broadcast %sign3A_872 : i32 to vector<2x160xi32>
    %sign3A_874 = arith.andi %sign3A_871, %sign3A_873 : vector<2x160xi32>
    %sign3A_875 = arith.constant 1065353216 : i32
    %sign3A_876 = vector.broadcast %sign3A_875 : i32 to vector<2x160xi32>
    %sign3A_877 = arith.ori %sign3A_876, %sign3A_874 : vector<2x160xi32>
    %sign3A_878 = tpu.bitcast %sign3A_877 : vector<2x160xi32> -> vector<2x160xf32>
    %sign3A_879 = math.absf %div3A_870 : vector<2x160xf32>
    %sign3A_880 = arith.constant 0.000000e+00 : f32
    %sign3A_881 = vector.broadcast %sign3A_880 : f32 to vector<2x160xf32>
    %sign3A_882 = arith.cmpf ogt, %sign3A_879, %sign3A_881 : vector<2x160xf32>
    %sign3A_883 = arith.select %sign3A_882, %sign3A_878, %div3A_870 : vector<2x160xi1>, vector<2x160xf32>
    %abs3A_884 = math.absf %div3A_870 : vector<2x160xf32>
    %mul3A_885 = arith.mulf %div3A_870, %div3A_870 : vector<2x160xf32>
    %add3A_886 = arith.constant 1.000000e+00 : f32
    %add3A_887 = vector.broadcast %add3A_886 : f32 to vector<2x160xf32>
    %add3A_888 = arith.addf %add3A_887, %mul3A_885 : vector<2x160xf32>
    %sqrt3A_889 = math.sqrt %add3A_888 : vector<2x160xf32>
    %add3A_890 = arith.addf %abs3A_884, %sqrt3A_889 : vector<2x160xf32>
    %div3A_891 = arith.divf %sign3A_883, %add3A_890 : vector<2x160xf32>
    %jit3A_892 = arith.constant 0.000000e+00 : f32
    %broadcast_in_dim3A_893 = vector.broadcast %jit3A_892 : f32 to vector<2x160xf32>
    %select_n3A_894 = arith.select %eq3A_862, %broadcast_in_dim3A_893, %div3A_891 : vector<2x160xi1>, vector<2x160xf32>
    %mul3A_895 = arith.mulf %select_n3A_894, %select_n3A_894 : vector<2x160xf32>
    %add3A_896 = arith.constant 1.000000e+00 : f32
    %add3A_897 = vector.broadcast %add3A_896 : f32 to vector<2x160xf32>
    %add3A_898 = arith.addf %add3A_897, %mul3A_895 : vector<2x160xf32>
    %sqrt3A_899 = math.sqrt %add3A_898 : vector<2x160xf32>
    %div3A_900 = arith.constant 1.000000e+00 : f32
    %div3A_901 = vector.broadcast %div3A_900 : f32 to vector<2x160xf32>
    %div3A_902 = arith.divf %div3A_901, %sqrt3A_899 : vector<2x160xf32>
    %mul3A_903 = arith.mulf %select_n3A_894, %div3A_902 : vector<2x160xf32>
    %slice3A_904 = vector.extract_strided_slice %div3A_902 {offsets = [0, 0], sizes = [1, 160], strides = [1, 1]} : vector<2x160xf32> to vector<1x160xf32>
    %slice3A_905 = vector.extract_strided_slice %div3A_902 {offsets = [1, 0], sizes = [1, 160], strides = [1, 1]} : vector<2x160xf32> to vector<1x160xf32>
    %slice3A_906 = vector.extract_strided_slice %mul3A_903 {offsets = [0, 0], sizes = [1, 160], strides = [1, 1]} : vector<2x160xf32> to vector<1x160xf32>
    %slice3A_907 = vector.extract_strided_slice %mul3A_903 {offsets = [1, 0], sizes = [1, 160], strides = [1, 1]} : vector<2x160xf32> to vector<1x160xf32>
    %broadcast_in_dim3A_908 = vector.shape_cast %slice3A_904 : vector<1x160xf32> to vector<1x160xf32>
    %broadcast_in_dim3A_909 = vector.broadcast %broadcast_in_dim3A_908 : vector<1x160xf32> to vector<4x160xf32>
    %broadcast_in_dim3A_910 = vector.shape_cast %slice3A_905 : vector<1x160xf32> to vector<1x160xf32>
    %broadcast_in_dim3A_911 = vector.broadcast %broadcast_in_dim3A_910 : vector<1x160xf32> to vector<4x160xf32>
    %concatenate3A_912 = tpu.concatenate %broadcast_in_dim3A_909, %broadcast_in_dim3A_911 in 0 : vector<4x160xf32>, vector<4x160xf32> -> vector<8x160xf32>
    %broadcast_in_dim3A_913 = vector.shape_cast %slice3A_906 : vector<1x160xf32> to vector<1x160xf32>
    %broadcast_in_dim3A_914 = vector.broadcast %broadcast_in_dim3A_913 : vector<1x160xf32> to vector<4x160xf32>
    %broadcast_in_dim3A_915 = vector.shape_cast %slice3A_907 : vector<1x160xf32> to vector<1x160xf32>
    %broadcast_in_dim3A_916 = vector.broadcast %broadcast_in_dim3A_915 : vector<1x160xf32> to vector<4x160xf32>
    %concatenate3A_917 = tpu.concatenate %broadcast_in_dim3A_914, %broadcast_in_dim3A_916 in 0 : vector<4x160xf32>, vector<4x160xf32> -> vector<8x160xf32>
    %concatenate3A_918 = tpu.concatenate %slice3A_904, %slice3A_905 in 0 : vector<1x160xf32>, vector<1x160xf32> -> vector<2x160xf32>
    %concatenate3A_919 = tpu.concatenate %slice3A_906, %slice3A_907 in 0 : vector<1x160xf32>, vector<1x160xf32> -> vector<2x160xf32>
    %concatenate3A_920 = tpu.concatenate %concatenate3A_918, %concatenate3A_918, %concatenate3A_918, %concatenate3A_918, %concatenate3A_918, %concatenate3A_918, %concatenate3A_918, %concatenate3A_918 in 0 : vector<2x160xf32>, vector<2x160xf32>, vector<2x160xf32>, vector<2x160xf32>, vector<2x160xf32>, vector<2x160xf32>, vector<2x160xf32>, vector<2x160xf32> -> vector<16x160xf32>
    %concatenate3A_921 = tpu.concatenate %concatenate3A_919, %concatenate3A_919, %concatenate3A_919, %concatenate3A_919, %concatenate3A_919, %concatenate3A_919, %concatenate3A_919, %concatenate3A_919 in 0 : vector<2x160xf32>, vector<2x160xf32>, vector<2x160xf32>, vector<2x160xf32>, vector<2x160xf32>, vector<2x160xf32>, vector<2x160xf32>, vector<2x160xf32> -> vector<16x160xf32>
    %slice3A_922 = vector.extract_strided_slice %concatenate3A_845 {offsets = [0, 0], sizes = [8, 160], strides = [1, 1]} : vector<16x160xf32> to vector<8x160xf32>
    %slice3A_923 = vector.extract_strided_slice %concatenate3A_845 {offsets = [8, 0], sizes = [8, 160], strides = [1, 1]} : vector<16x160xf32> to vector<8x160xf32>
    %mul3A_924 = arith.mulf %concatenate3A_912, %slice3A_922 : vector<8x160xf32>
    %mul3A_925 = arith.mulf %concatenate3A_917, %slice3A_923 : vector<8x160xf32>
    %sub3A_926 = arith.subf %mul3A_924, %mul3A_925 : vector<8x160xf32>
    %mul3A_927 = arith.mulf %concatenate3A_917, %slice3A_922 : vector<8x160xf32>
    %mul3A_928 = arith.mulf %concatenate3A_912, %slice3A_923 : vector<8x160xf32>
    %add3A_929 = arith.addf %mul3A_927, %mul3A_928 : vector<8x160xf32>
    %concatenate3A_930 = tpu.concatenate %sub3A_926, %add3A_929 in 0 : vector<8x160xf32>, vector<8x160xf32> -> vector<16x160xf32>
    %slice3A_931 = vector.extract_strided_slice %concatenate3A_930 {offsets = [2, 0], sizes = [14, 160], strides = [1, 1]} : vector<16x160xf32> to vector<14x160xf32>
    %slice3A_932 = vector.extract_strided_slice %concatenate3A_930 {offsets = [0, 0], sizes = [2, 160], strides = [1, 1]} : vector<16x160xf32> to vector<2x160xf32>
    %concatenate3A_933 = tpu.concatenate %slice3A_931, %slice3A_932 in 0 : vector<14x160xf32>, vector<2x160xf32> -> vector<16x160xf32>
    %slice3A_934 = vector.extract_strided_slice %concatenate3A_930 {offsets = [14, 0], sizes = [2, 160], strides = [1, 1]} : vector<16x160xf32> to vector<2x160xf32>
    %slice3A_935 = vector.extract_strided_slice %concatenate3A_930 {offsets = [0, 0], sizes = [14, 160], strides = [1, 1]} : vector<16x160xf32> to vector<14x160xf32>
    %concatenate3A_936 = tpu.concatenate %slice3A_934, %slice3A_935 in 0 : vector<2x160xf32>, vector<14x160xf32> -> vector<16x160xf32>
    %mul3A_937 = arith.mulf %concatenate3A_920, %concatenate3A_930 : vector<16x160xf32>
    %mul3A_938 = arith.mulf %concatenate3A_921, %concatenate3A_933 : vector<16x160xf32>
    %sub3A_939 = arith.subf %mul3A_937, %mul3A_938 : vector<16x160xf32>
    %mul3A_940 = arith.mulf %concatenate3A_920, %concatenate3A_930 : vector<16x160xf32>
    %mul3A_941 = arith.mulf %concatenate3A_921, %concatenate3A_936 : vector<16x160xf32>
    %add3A_942 = arith.addf %mul3A_940, %mul3A_941 : vector<16x160xf32>
    %select_n3A_943 = arith.select %lt3A_232, %sub3A_939, %add3A_942 : vector<16x160xi1>, vector<16x160xf32>
    %slice3A_944 = vector.extract_strided_slice %concatenate3A_850 {offsets = [0, 0], sizes = [8, 160], strides = [1, 1]} : vector<16x160xf32> to vector<8x160xf32>
    %slice3A_945 = vector.extract_strided_slice %concatenate3A_850 {offsets = [8, 0], sizes = [8, 160], strides = [1, 1]} : vector<16x160xf32> to vector<8x160xf32>
    %mul3A_946 = arith.mulf %concatenate3A_912, %slice3A_944 : vector<8x160xf32>
    %mul3A_947 = arith.mulf %concatenate3A_917, %slice3A_945 : vector<8x160xf32>
    %sub3A_948 = arith.subf %mul3A_946, %mul3A_947 : vector<8x160xf32>
    %mul3A_949 = arith.mulf %concatenate3A_917, %slice3A_944 : vector<8x160xf32>
    %mul3A_950 = arith.mulf %concatenate3A_912, %slice3A_945 : vector<8x160xf32>
    %add3A_951 = arith.addf %mul3A_949, %mul3A_950 : vector<8x160xf32>
    %concatenate3A_952 = tpu.concatenate %sub3A_948, %add3A_951 in 0 : vector<8x160xf32>, vector<8x160xf32> -> vector<16x160xf32>
    %slice3A_953 = vector.extract_strided_slice %select_n3A_943 {offsets = [0, 0], sizes = [1, 160], strides = [1, 1]} : vector<16x160xf32> to vector<1x160xf32>
    %slice3A_954 = vector.extract_strided_slice %select_n3A_943 {offsets = [2, 0], sizes = [1, 160], strides = [1, 1]} : vector<16x160xf32> to vector<1x160xf32>
    %slice3A_955 = vector.extract_strided_slice %select_n3A_943 {offsets = [3, 0], sizes = [1, 160], strides = [1, 1]} : vector<16x160xf32> to vector<1x160xf32>
    %slice3A_956 = vector.extract_strided_slice %select_n3A_943 {offsets = [1, 0], sizes = [1, 160], strides = [1, 1]} : vector<16x160xf32> to vector<1x160xf32>
    %slice3A_957 = vector.extract_strided_slice %select_n3A_943 {offsets = [8, 0], sizes = [1, 160], strides = [1, 1]} : vector<16x160xf32> to vector<1x160xf32>
    %slice3A_958 = vector.extract_strided_slice %select_n3A_943 {offsets = [10, 0], sizes = [1, 160], strides = [1, 1]} : vector<16x160xf32> to vector<1x160xf32>
    %slice3A_959 = vector.extract_strided_slice %select_n3A_943 {offsets = [11, 0], sizes = [1, 160], strides = [1, 1]} : vector<16x160xf32> to vector<1x160xf32>
    %slice3A_960 = vector.extract_strided_slice %select_n3A_943 {offsets = [9, 0], sizes = [1, 160], strides = [1, 1]} : vector<16x160xf32> to vector<1x160xf32>
    %slice3A_961 = vector.extract_strided_slice %select_n3A_943 {offsets = [12, 0], sizes = [1, 160], strides = [1, 1]} : vector<16x160xf32> to vector<1x160xf32>
    %slice3A_962 = vector.extract_strided_slice %select_n3A_943 {offsets = [14, 0], sizes = [1, 160], strides = [1, 1]} : vector<16x160xf32> to vector<1x160xf32>
    %slice3A_963 = vector.extract_strided_slice %select_n3A_943 {offsets = [15, 0], sizes = [1, 160], strides = [1, 1]} : vector<16x160xf32> to vector<1x160xf32>
    %slice3A_964 = vector.extract_strided_slice %select_n3A_943 {offsets = [13, 0], sizes = [1, 160], strides = [1, 1]} : vector<16x160xf32> to vector<1x160xf32>
    %slice3A_965 = vector.extract_strided_slice %select_n3A_943 {offsets = [4, 0], sizes = [1, 160], strides = [1, 1]} : vector<16x160xf32> to vector<1x160xf32>
    %slice3A_966 = vector.extract_strided_slice %select_n3A_943 {offsets = [6, 0], sizes = [1, 160], strides = [1, 1]} : vector<16x160xf32> to vector<1x160xf32>
    %slice3A_967 = vector.extract_strided_slice %select_n3A_943 {offsets = [7, 0], sizes = [1, 160], strides = [1, 1]} : vector<16x160xf32> to vector<1x160xf32>
    %slice3A_968 = vector.extract_strided_slice %select_n3A_943 {offsets = [5, 0], sizes = [1, 160], strides = [1, 1]} : vector<16x160xf32> to vector<1x160xf32>
    %concatenate3A_969 = tpu.concatenate %slice3A_953, %slice3A_954, %slice3A_955, %slice3A_956, %slice3A_957, %slice3A_958, %slice3A_959, %slice3A_960, %slice3A_961, %slice3A_962, %slice3A_963, %slice3A_964, %slice3A_965, %slice3A_966, %slice3A_967, %slice3A_968 in 0 : vector<1x160xf32>, vector<1x160xf32>, vector<1x160xf32>, vector<1x160xf32>, vector<1x160xf32>, vector<1x160xf32>, vector<1x160xf32>, vector<1x160xf32>, vector<1x160xf32>, vector<1x160xf32>, vector<1x160xf32>, vector<1x160xf32>, vector<1x160xf32>, vector<1x160xf32>, vector<1x160xf32>, vector<1x160xf32> -> vector<16x160xf32>
    %slice3A_970 = vector.extract_strided_slice %concatenate3A_952 {offsets = [0, 0], sizes = [4, 160], strides = [1, 1]} : vector<16x160xf32> to vector<4x160xf32>
    %slice3A_971 = vector.extract_strided_slice %concatenate3A_952 {offsets = [8, 0], sizes = [4, 160], strides = [1, 1]} : vector<16x160xf32> to vector<4x160xf32>
    %slice3A_972 = vector.extract_strided_slice %concatenate3A_952 {offsets = [12, 0], sizes = [4, 160], strides = [1, 1]} : vector<16x160xf32> to vector<4x160xf32>
    %slice3A_973 = vector.extract_strided_slice %concatenate3A_952 {offsets = [4, 0], sizes = [4, 160], strides = [1, 1]} : vector<16x160xf32> to vector<4x160xf32>
    %concatenate3A_974 = tpu.concatenate %slice3A_970, %slice3A_971, %slice3A_972, %slice3A_973 in 0 : vector<4x160xf32>, vector<4x160xf32>, vector<4x160xf32>, vector<4x160xf32> -> vector<16x160xf32>
    %slice3A_975 = vector.extract_strided_slice %concatenate3A_969 {offsets = [0, 0], sizes = [1, 160], strides = [1, 1]} : vector<16x160xf32> to vector<1x160xf32>
    %slice3A_976 = vector.extract_strided_slice %concatenate3A_969 {offsets = [5, 0], sizes = [1, 160], strides = [1, 1]} : vector<16x160xf32> to vector<1x160xf32>
    %concatenate3A_977 = tpu.concatenate %slice3A_975, %slice3A_976 in 0 : vector<1x160xf32>, vector<1x160xf32> -> vector<2x160xf32>
    %slice3A_978 = vector.extract_strided_slice %concatenate3A_969 {offsets = [10, 0], sizes = [1, 160], strides = [1, 1]} : vector<16x160xf32> to vector<1x160xf32>
    %slice3A_979 = vector.extract_strided_slice %concatenate3A_969 {offsets = [15, 0], sizes = [1, 160], strides = [1, 1]} : vector<16x160xf32> to vector<1x160xf32>
    %concatenate3A_980 = tpu.concatenate %slice3A_978, %slice3A_979 in 0 : vector<1x160xf32>, vector<1x160xf32> -> vector<2x160xf32>
    %slice3A_981 = vector.extract_strided_slice %concatenate3A_969 {offsets = [2, 0], sizes = [1, 160], strides = [1, 1]} : vector<16x160xf32> to vector<1x160xf32>
    %slice3A_982 = vector.extract_strided_slice %concatenate3A_969 {offsets = [7, 0], sizes = [1, 160], strides = [1, 1]} : vector<16x160xf32> to vector<1x160xf32>
    %concatenate3A_983 = tpu.concatenate %slice3A_981, %slice3A_982 in 0 : vector<1x160xf32>, vector<1x160xf32> -> vector<2x160xf32>
    %eq3A_984 = arith.constant 0.000000e+00 : f32
    %eq3A_985 = vector.broadcast %eq3A_984 : f32 to vector<2x160xf32>
    %eq3A_986 = arith.cmpf oeq, %concatenate3A_983, %eq3A_985 : vector<2x160xf32>
    %jit3A_987 = arith.constant 1.000000e+00 : f32
    %broadcast_in_dim3A_988 = vector.broadcast %jit3A_987 : f32 to vector<2x160xf32>
    %select_n3A_989 = arith.select %eq3A_986, %broadcast_in_dim3A_988, %concatenate3A_983 : vector<2x160xi1>, vector<2x160xf32>
    %sub3A_990 = arith.subf %concatenate3A_980, %concatenate3A_977 : vector<2x160xf32>
    %mul3A_991 = arith.constant 2.000000e+00 : f32
    %mul3A_992 = vector.broadcast %mul3A_991 : f32 to vector<2x160xf32>
    %mul3A_993 = arith.mulf %mul3A_992, %select_n3A_989 : vector<2x160xf32>
    %div3A_994 = arith.divf %sub3A_990, %mul3A_993 : vector<2x160xf32>
    %sign3A_995 = tpu.bitcast %div3A_994 : vector<2x160xf32> -> vector<2x160xi32>
    %sign3A_996 = arith.constant -2147483648 : i32
    %sign3A_997 = vector.broadcast %sign3A_996 : i32 to vector<2x160xi32>
    %sign3A_998 = arith.andi %sign3A_995, %sign3A_997 : vector<2x160xi32>
    %sign3A_999 = arith.constant 1065353216 : i32
    %sign3A_1000 = vector.broadcast %sign3A_999 : i32 to vector<2x160xi32>
    %sign3A_1001 = arith.ori %sign3A_1000, %sign3A_998 : vector<2x160xi32>
    %sign3A_1002 = tpu.bitcast %sign3A_1001 : vector<2x160xi32> -> vector<2x160xf32>
    %sign3A_1003 = math.absf %div3A_994 : vector<2x160xf32>
    %sign3A_1004 = arith.constant 0.000000e+00 : f32
    %sign3A_1005 = vector.broadcast %sign3A_1004 : f32 to vector<2x160xf32>
    %sign3A_1006 = arith.cmpf ogt, %sign3A_1003, %sign3A_1005 : vector<2x160xf32>
    %sign3A_1007 = arith.select %sign3A_1006, %sign3A_1002, %div3A_994 : vector<2x160xi1>, vector<2x160xf32>
    %abs3A_1008 = math.absf %div3A_994 : vector<2x160xf32>
    %mul3A_1009 = arith.mulf %div3A_994, %div3A_994 : vector<2x160xf32>
    %add3A_1010 = arith.constant 1.000000e+00 : f32
    %add3A_1011 = vector.broadcast %add3A_1010 : f32 to vector<2x160xf32>
    %add3A_1012 = arith.addf %add3A_1011, %mul3A_1009 : vector<2x160xf32>
    %sqrt3A_1013 = math.sqrt %add3A_1012 : vector<2x160xf32>
    %add3A_1014 = arith.addf %abs3A_1008, %sqrt3A_1013 : vector<2x160xf32>
    %div3A_1015 = arith.divf %sign3A_1007, %add3A_1014 : vector<2x160xf32>
    %jit3A_1016 = arith.constant 0.000000e+00 : f32
    %broadcast_in_dim3A_1017 = vector.broadcast %jit3A_1016 : f32 to vector<2x160xf32>
    %select_n3A_1018 = arith.select %eq3A_986, %broadcast_in_dim3A_1017, %div3A_1015 : vector<2x160xi1>, vector<2x160xf32>
    %mul3A_1019 = arith.mulf %select_n3A_1018, %select_n3A_1018 : vector<2x160xf32>
    %add3A_1020 = arith.constant 1.000000e+00 : f32
    %add3A_1021 = vector.broadcast %add3A_1020 : f32 to vector<2x160xf32>
    %add3A_1022 = arith.addf %add3A_1021, %mul3A_1019 : vector<2x160xf32>
    %sqrt3A_1023 = math.sqrt %add3A_1022 : vector<2x160xf32>
    %div3A_1024 = arith.constant 1.000000e+00 : f32
    %div3A_1025 = vector.broadcast %div3A_1024 : f32 to vector<2x160xf32>
    %div3A_1026 = arith.divf %div3A_1025, %sqrt3A_1023 : vector<2x160xf32>
    %mul3A_1027 = arith.mulf %select_n3A_1018, %div3A_1026 : vector<2x160xf32>
    %slice3A_1028 = vector.extract_strided_slice %div3A_1026 {offsets = [0, 0], sizes = [1, 160], strides = [1, 1]} : vector<2x160xf32> to vector<1x160xf32>
    %slice3A_1029 = vector.extract_strided_slice %div3A_1026 {offsets = [1, 0], sizes = [1, 160], strides = [1, 1]} : vector<2x160xf32> to vector<1x160xf32>
    %slice3A_1030 = vector.extract_strided_slice %mul3A_1027 {offsets = [0, 0], sizes = [1, 160], strides = [1, 1]} : vector<2x160xf32> to vector<1x160xf32>
    %slice3A_1031 = vector.extract_strided_slice %mul3A_1027 {offsets = [1, 0], sizes = [1, 160], strides = [1, 1]} : vector<2x160xf32> to vector<1x160xf32>
    %broadcast_in_dim3A_1032 = vector.shape_cast %slice3A_1028 : vector<1x160xf32> to vector<1x160xf32>
    %broadcast_in_dim3A_1033 = vector.broadcast %broadcast_in_dim3A_1032 : vector<1x160xf32> to vector<4x160xf32>
    %broadcast_in_dim3A_1034 = vector.shape_cast %slice3A_1029 : vector<1x160xf32> to vector<1x160xf32>
    %broadcast_in_dim3A_1035 = vector.broadcast %broadcast_in_dim3A_1034 : vector<1x160xf32> to vector<4x160xf32>
    %concatenate3A_1036 = tpu.concatenate %broadcast_in_dim3A_1033, %broadcast_in_dim3A_1035 in 0 : vector<4x160xf32>, vector<4x160xf32> -> vector<8x160xf32>
    %broadcast_in_dim3A_1037 = vector.shape_cast %slice3A_1030 : vector<1x160xf32> to vector<1x160xf32>
    %broadcast_in_dim3A_1038 = vector.broadcast %broadcast_in_dim3A_1037 : vector<1x160xf32> to vector<4x160xf32>
    %broadcast_in_dim3A_1039 = vector.shape_cast %slice3A_1031 : vector<1x160xf32> to vector<1x160xf32>
    %broadcast_in_dim3A_1040 = vector.broadcast %broadcast_in_dim3A_1039 : vector<1x160xf32> to vector<4x160xf32>
    %concatenate3A_1041 = tpu.concatenate %broadcast_in_dim3A_1038, %broadcast_in_dim3A_1040 in 0 : vector<4x160xf32>, vector<4x160xf32> -> vector<8x160xf32>
    %concatenate3A_1042 = tpu.concatenate %slice3A_1028, %slice3A_1029 in 0 : vector<1x160xf32>, vector<1x160xf32> -> vector<2x160xf32>
    %concatenate3A_1043 = tpu.concatenate %slice3A_1030, %slice3A_1031 in 0 : vector<1x160xf32>, vector<1x160xf32> -> vector<2x160xf32>
    %concatenate3A_1044 = tpu.concatenate %concatenate3A_1042, %concatenate3A_1042, %concatenate3A_1042, %concatenate3A_1042, %concatenate3A_1042, %concatenate3A_1042, %concatenate3A_1042, %concatenate3A_1042 in 0 : vector<2x160xf32>, vector<2x160xf32>, vector<2x160xf32>, vector<2x160xf32>, vector<2x160xf32>, vector<2x160xf32>, vector<2x160xf32>, vector<2x160xf32> -> vector<16x160xf32>
    %concatenate3A_1045 = tpu.concatenate %concatenate3A_1043, %concatenate3A_1043, %concatenate3A_1043, %concatenate3A_1043, %concatenate3A_1043, %concatenate3A_1043, %concatenate3A_1043, %concatenate3A_1043 in 0 : vector<2x160xf32>, vector<2x160xf32>, vector<2x160xf32>, vector<2x160xf32>, vector<2x160xf32>, vector<2x160xf32>, vector<2x160xf32>, vector<2x160xf32> -> vector<16x160xf32>
    %slice3A_1046 = vector.extract_strided_slice %concatenate3A_969 {offsets = [0, 0], sizes = [8, 160], strides = [1, 1]} : vector<16x160xf32> to vector<8x160xf32>
    %slice3A_1047 = vector.extract_strided_slice %concatenate3A_969 {offsets = [8, 0], sizes = [8, 160], strides = [1, 1]} : vector<16x160xf32> to vector<8x160xf32>
    %mul3A_1048 = arith.mulf %concatenate3A_1036, %slice3A_1046 : vector<8x160xf32>
    %mul3A_1049 = arith.mulf %concatenate3A_1041, %slice3A_1047 : vector<8x160xf32>
    %sub3A_1050 = arith.subf %mul3A_1048, %mul3A_1049 : vector<8x160xf32>
    %mul3A_1051 = arith.mulf %concatenate3A_1041, %slice3A_1046 : vector<8x160xf32>
    %mul3A_1052 = arith.mulf %concatenate3A_1036, %slice3A_1047 : vector<8x160xf32>
    %add3A_1053 = arith.addf %mul3A_1051, %mul3A_1052 : vector<8x160xf32>
    %concatenate3A_1054 = tpu.concatenate %sub3A_1050, %add3A_1053 in 0 : vector<8x160xf32>, vector<8x160xf32> -> vector<16x160xf32>
    %slice3A_1055 = vector.extract_strided_slice %concatenate3A_1054 {offsets = [2, 0], sizes = [14, 160], strides = [1, 1]} : vector<16x160xf32> to vector<14x160xf32>
    %slice3A_1056 = vector.extract_strided_slice %concatenate3A_1054 {offsets = [0, 0], sizes = [2, 160], strides = [1, 1]} : vector<16x160xf32> to vector<2x160xf32>
    %concatenate3A_1057 = tpu.concatenate %slice3A_1055, %slice3A_1056 in 0 : vector<14x160xf32>, vector<2x160xf32> -> vector<16x160xf32>
    %slice3A_1058 = vector.extract_strided_slice %concatenate3A_1054 {offsets = [14, 0], sizes = [2, 160], strides = [1, 1]} : vector<16x160xf32> to vector<2x160xf32>
    %slice3A_1059 = vector.extract_strided_slice %concatenate3A_1054 {offsets = [0, 0], sizes = [14, 160], strides = [1, 1]} : vector<16x160xf32> to vector<14x160xf32>
    %concatenate3A_1060 = tpu.concatenate %slice3A_1058, %slice3A_1059 in 0 : vector<2x160xf32>, vector<14x160xf32> -> vector<16x160xf32>
    %mul3A_1061 = arith.mulf %concatenate3A_1044, %concatenate3A_1054 : vector<16x160xf32>
    %mul3A_1062 = arith.mulf %concatenate3A_1045, %concatenate3A_1057 : vector<16x160xf32>
    %sub3A_1063 = arith.subf %mul3A_1061, %mul3A_1062 : vector<16x160xf32>
    %mul3A_1064 = arith.mulf %concatenate3A_1044, %concatenate3A_1054 : vector<16x160xf32>
    %mul3A_1065 = arith.mulf %concatenate3A_1045, %concatenate3A_1060 : vector<16x160xf32>
    %add3A_1066 = arith.addf %mul3A_1064, %mul3A_1065 : vector<16x160xf32>
    %select_n3A_1067 = arith.select %lt3A_232, %sub3A_1063, %add3A_1066 : vector<16x160xi1>, vector<16x160xf32>
    %slice3A_1068 = vector.extract_strided_slice %concatenate3A_974 {offsets = [0, 0], sizes = [8, 160], strides = [1, 1]} : vector<16x160xf32> to vector<8x160xf32>
    %slice3A_1069 = vector.extract_strided_slice %concatenate3A_974 {offsets = [8, 0], sizes = [8, 160], strides = [1, 1]} : vector<16x160xf32> to vector<8x160xf32>
    %mul3A_1070 = arith.mulf %concatenate3A_1036, %slice3A_1068 : vector<8x160xf32>
    %mul3A_1071 = arith.mulf %concatenate3A_1041, %slice3A_1069 : vector<8x160xf32>
    %sub3A_1072 = arith.subf %mul3A_1070, %mul3A_1071 : vector<8x160xf32>
    %mul3A_1073 = arith.mulf %concatenate3A_1041, %slice3A_1068 : vector<8x160xf32>
    %mul3A_1074 = arith.mulf %concatenate3A_1036, %slice3A_1069 : vector<8x160xf32>
    %add3A_1075 = arith.addf %mul3A_1073, %mul3A_1074 : vector<8x160xf32>
    %concatenate3A_1076 = tpu.concatenate %sub3A_1072, %add3A_1075 in 0 : vector<8x160xf32>, vector<8x160xf32> -> vector<16x160xf32>
    %slice3A_1077 = vector.extract_strided_slice %select_n3A_1067 {offsets = [0, 0], sizes = [1, 160], strides = [1, 1]} : vector<16x160xf32> to vector<1x160xf32>
    %slice3A_1078 = vector.extract_strided_slice %select_n3A_1067 {offsets = [2, 0], sizes = [1, 160], strides = [1, 1]} : vector<16x160xf32> to vector<1x160xf32>
    %slice3A_1079 = vector.extract_strided_slice %select_n3A_1067 {offsets = [3, 0], sizes = [1, 160], strides = [1, 1]} : vector<16x160xf32> to vector<1x160xf32>
    %slice3A_1080 = vector.extract_strided_slice %select_n3A_1067 {offsets = [1, 0], sizes = [1, 160], strides = [1, 1]} : vector<16x160xf32> to vector<1x160xf32>
    %slice3A_1081 = vector.extract_strided_slice %select_n3A_1067 {offsets = [8, 0], sizes = [1, 160], strides = [1, 1]} : vector<16x160xf32> to vector<1x160xf32>
    %slice3A_1082 = vector.extract_strided_slice %select_n3A_1067 {offsets = [10, 0], sizes = [1, 160], strides = [1, 1]} : vector<16x160xf32> to vector<1x160xf32>
    %slice3A_1083 = vector.extract_strided_slice %select_n3A_1067 {offsets = [11, 0], sizes = [1, 160], strides = [1, 1]} : vector<16x160xf32> to vector<1x160xf32>
    %slice3A_1084 = vector.extract_strided_slice %select_n3A_1067 {offsets = [9, 0], sizes = [1, 160], strides = [1, 1]} : vector<16x160xf32> to vector<1x160xf32>
    %slice3A_1085 = vector.extract_strided_slice %select_n3A_1067 {offsets = [12, 0], sizes = [1, 160], strides = [1, 1]} : vector<16x160xf32> to vector<1x160xf32>
    %slice3A_1086 = vector.extract_strided_slice %select_n3A_1067 {offsets = [14, 0], sizes = [1, 160], strides = [1, 1]} : vector<16x160xf32> to vector<1x160xf32>
    %slice3A_1087 = vector.extract_strided_slice %select_n3A_1067 {offsets = [15, 0], sizes = [1, 160], strides = [1, 1]} : vector<16x160xf32> to vector<1x160xf32>
    %slice3A_1088 = vector.extract_strided_slice %select_n3A_1067 {offsets = [13, 0], sizes = [1, 160], strides = [1, 1]} : vector<16x160xf32> to vector<1x160xf32>
    %slice3A_1089 = vector.extract_strided_slice %select_n3A_1067 {offsets = [4, 0], sizes = [1, 160], strides = [1, 1]} : vector<16x160xf32> to vector<1x160xf32>
    %slice3A_1090 = vector.extract_strided_slice %select_n3A_1067 {offsets = [6, 0], sizes = [1, 160], strides = [1, 1]} : vector<16x160xf32> to vector<1x160xf32>
    %slice3A_1091 = vector.extract_strided_slice %select_n3A_1067 {offsets = [7, 0], sizes = [1, 160], strides = [1, 1]} : vector<16x160xf32> to vector<1x160xf32>
    %slice3A_1092 = vector.extract_strided_slice %select_n3A_1067 {offsets = [5, 0], sizes = [1, 160], strides = [1, 1]} : vector<16x160xf32> to vector<1x160xf32>
    %concatenate3A_1093 = tpu.concatenate %slice3A_1077, %slice3A_1078, %slice3A_1079, %slice3A_1080, %slice3A_1081, %slice3A_1082, %slice3A_1083, %slice3A_1084, %slice3A_1085, %slice3A_1086, %slice3A_1087, %slice3A_1088, %slice3A_1089, %slice3A_1090, %slice3A_1091, %slice3A_1092 in 0 : vector<1x160xf32>, vector<1x160xf32>, vector<1x160xf32>, vector<1x160xf32>, vector<1x160xf32>, vector<1x160xf32>, vector<1x160xf32>, vector<1x160xf32>, vector<1x160xf32>, vector<1x160xf32>, vector<1x160xf32>, vector<1x160xf32>, vector<1x160xf32>, vector<1x160xf32>, vector<1x160xf32>, vector<1x160xf32> -> vector<16x160xf32>
    %slice3A_1094 = vector.extract_strided_slice %concatenate3A_1076 {offsets = [0, 0], sizes = [4, 160], strides = [1, 1]} : vector<16x160xf32> to vector<4x160xf32>
    %slice3A_1095 = vector.extract_strided_slice %concatenate3A_1076 {offsets = [8, 0], sizes = [4, 160], strides = [1, 1]} : vector<16x160xf32> to vector<4x160xf32>
    %slice3A_1096 = vector.extract_strided_slice %concatenate3A_1076 {offsets = [12, 0], sizes = [4, 160], strides = [1, 1]} : vector<16x160xf32> to vector<4x160xf32>
    %slice3A_1097 = vector.extract_strided_slice %concatenate3A_1076 {offsets = [4, 0], sizes = [4, 160], strides = [1, 1]} : vector<16x160xf32> to vector<4x160xf32>
    %concatenate3A_1098 = tpu.concatenate %slice3A_1094, %slice3A_1095, %slice3A_1096, %slice3A_1097 in 0 : vector<4x160xf32>, vector<4x160xf32>, vector<4x160xf32>, vector<4x160xf32> -> vector<16x160xf32>
    %slice3A_1099 = vector.extract_strided_slice %concatenate3A_1093 {offsets = [0, 0], sizes = [1, 160], strides = [1, 1]} : vector<16x160xf32> to vector<1x160xf32>
    %slice3A_1100 = vector.extract_strided_slice %concatenate3A_1093 {offsets = [5, 0], sizes = [1, 160], strides = [1, 1]} : vector<16x160xf32> to vector<1x160xf32>
    %concatenate3A_1101 = tpu.concatenate %slice3A_1099, %slice3A_1100 in 0 : vector<1x160xf32>, vector<1x160xf32> -> vector<2x160xf32>
    %slice3A_1102 = vector.extract_strided_slice %concatenate3A_1093 {offsets = [10, 0], sizes = [1, 160], strides = [1, 1]} : vector<16x160xf32> to vector<1x160xf32>
    %slice3A_1103 = vector.extract_strided_slice %concatenate3A_1093 {offsets = [15, 0], sizes = [1, 160], strides = [1, 1]} : vector<16x160xf32> to vector<1x160xf32>
    %concatenate3A_1104 = tpu.concatenate %slice3A_1102, %slice3A_1103 in 0 : vector<1x160xf32>, vector<1x160xf32> -> vector<2x160xf32>
    %slice3A_1105 = vector.extract_strided_slice %concatenate3A_1093 {offsets = [2, 0], sizes = [1, 160], strides = [1, 1]} : vector<16x160xf32> to vector<1x160xf32>
    %slice3A_1106 = vector.extract_strided_slice %concatenate3A_1093 {offsets = [7, 0], sizes = [1, 160], strides = [1, 1]} : vector<16x160xf32> to vector<1x160xf32>
    %concatenate3A_1107 = tpu.concatenate %slice3A_1105, %slice3A_1106 in 0 : vector<1x160xf32>, vector<1x160xf32> -> vector<2x160xf32>
    %eq3A_1108 = arith.constant 0.000000e+00 : f32
    %eq3A_1109 = vector.broadcast %eq3A_1108 : f32 to vector<2x160xf32>
    %eq3A_1110 = arith.cmpf oeq, %concatenate3A_1107, %eq3A_1109 : vector<2x160xf32>
    %jit3A_1111 = arith.constant 1.000000e+00 : f32
    %broadcast_in_dim3A_1112 = vector.broadcast %jit3A_1111 : f32 to vector<2x160xf32>
    %select_n3A_1113 = arith.select %eq3A_1110, %broadcast_in_dim3A_1112, %concatenate3A_1107 : vector<2x160xi1>, vector<2x160xf32>
    %sub3A_1114 = arith.subf %concatenate3A_1104, %concatenate3A_1101 : vector<2x160xf32>
    %mul3A_1115 = arith.constant 2.000000e+00 : f32
    %mul3A_1116 = vector.broadcast %mul3A_1115 : f32 to vector<2x160xf32>
    %mul3A_1117 = arith.mulf %mul3A_1116, %select_n3A_1113 : vector<2x160xf32>
    %div3A_1118 = arith.divf %sub3A_1114, %mul3A_1117 : vector<2x160xf32>
    %sign3A_1119 = tpu.bitcast %div3A_1118 : vector<2x160xf32> -> vector<2x160xi32>
    %sign3A_1120 = arith.constant -2147483648 : i32
    %sign3A_1121 = vector.broadcast %sign3A_1120 : i32 to vector<2x160xi32>
    %sign3A_1122 = arith.andi %sign3A_1119, %sign3A_1121 : vector<2x160xi32>
    %sign3A_1123 = arith.constant 1065353216 : i32
    %sign3A_1124 = vector.broadcast %sign3A_1123 : i32 to vector<2x160xi32>
    %sign3A_1125 = arith.ori %sign3A_1124, %sign3A_1122 : vector<2x160xi32>
    %sign3A_1126 = tpu.bitcast %sign3A_1125 : vector<2x160xi32> -> vector<2x160xf32>
    %sign3A_1127 = math.absf %div3A_1118 : vector<2x160xf32>
    %sign3A_1128 = arith.constant 0.000000e+00 : f32
    %sign3A_1129 = vector.broadcast %sign3A_1128 : f32 to vector<2x160xf32>
    %sign3A_1130 = arith.cmpf ogt, %sign3A_1127, %sign3A_1129 : vector<2x160xf32>
    %sign3A_1131 = arith.select %sign3A_1130, %sign3A_1126, %div3A_1118 : vector<2x160xi1>, vector<2x160xf32>
    %abs3A_1132 = math.absf %div3A_1118 : vector<2x160xf32>
    %mul3A_1133 = arith.mulf %div3A_1118, %div3A_1118 : vector<2x160xf32>
    %add3A_1134 = arith.constant 1.000000e+00 : f32
    %add3A_1135 = vector.broadcast %add3A_1134 : f32 to vector<2x160xf32>
    %add3A_1136 = arith.addf %add3A_1135, %mul3A_1133 : vector<2x160xf32>
    %sqrt3A_1137 = math.sqrt %add3A_1136 : vector<2x160xf32>
    %add3A_1138 = arith.addf %abs3A_1132, %sqrt3A_1137 : vector<2x160xf32>
    %div3A_1139 = arith.divf %sign3A_1131, %add3A_1138 : vector<2x160xf32>
    %jit3A_1140 = arith.constant 0.000000e+00 : f32
    %broadcast_in_dim3A_1141 = vector.broadcast %jit3A_1140 : f32 to vector<2x160xf32>
    %select_n3A_1142 = arith.select %eq3A_1110, %broadcast_in_dim3A_1141, %div3A_1139 : vector<2x160xi1>, vector<2x160xf32>
    %mul3A_1143 = arith.mulf %select_n3A_1142, %select_n3A_1142 : vector<2x160xf32>
    %add3A_1144 = arith.constant 1.000000e+00 : f32
    %add3A_1145 = vector.broadcast %add3A_1144 : f32 to vector<2x160xf32>
    %add3A_1146 = arith.addf %add3A_1145, %mul3A_1143 : vector<2x160xf32>
    %sqrt3A_1147 = math.sqrt %add3A_1146 : vector<2x160xf32>
    %div3A_1148 = arith.constant 1.000000e+00 : f32
    %div3A_1149 = vector.broadcast %div3A_1148 : f32 to vector<2x160xf32>
    %div3A_1150 = arith.divf %div3A_1149, %sqrt3A_1147 : vector<2x160xf32>
    %mul3A_1151 = arith.mulf %select_n3A_1142, %div3A_1150 : vector<2x160xf32>
    %slice3A_1152 = vector.extract_strided_slice %div3A_1150 {offsets = [0, 0], sizes = [1, 160], strides = [1, 1]} : vector<2x160xf32> to vector<1x160xf32>
    %slice3A_1153 = vector.extract_strided_slice %div3A_1150 {offsets = [1, 0], sizes = [1, 160], strides = [1, 1]} : vector<2x160xf32> to vector<1x160xf32>
    %slice3A_1154 = vector.extract_strided_slice %mul3A_1151 {offsets = [0, 0], sizes = [1, 160], strides = [1, 1]} : vector<2x160xf32> to vector<1x160xf32>
    %slice3A_1155 = vector.extract_strided_slice %mul3A_1151 {offsets = [1, 0], sizes = [1, 160], strides = [1, 1]} : vector<2x160xf32> to vector<1x160xf32>
    %broadcast_in_dim3A_1156 = vector.shape_cast %slice3A_1152 : vector<1x160xf32> to vector<1x160xf32>
    %broadcast_in_dim3A_1157 = vector.broadcast %broadcast_in_dim3A_1156 : vector<1x160xf32> to vector<4x160xf32>
    %broadcast_in_dim3A_1158 = vector.shape_cast %slice3A_1153 : vector<1x160xf32> to vector<1x160xf32>
    %broadcast_in_dim3A_1159 = vector.broadcast %broadcast_in_dim3A_1158 : vector<1x160xf32> to vector<4x160xf32>
    %concatenate3A_1160 = tpu.concatenate %broadcast_in_dim3A_1157, %broadcast_in_dim3A_1159 in 0 : vector<4x160xf32>, vector<4x160xf32> -> vector<8x160xf32>
    %broadcast_in_dim3A_1161 = vector.shape_cast %slice3A_1154 : vector<1x160xf32> to vector<1x160xf32>
    %broadcast_in_dim3A_1162 = vector.broadcast %broadcast_in_dim3A_1161 : vector<1x160xf32> to vector<4x160xf32>
    %broadcast_in_dim3A_1163 = vector.shape_cast %slice3A_1155 : vector<1x160xf32> to vector<1x160xf32>
    %broadcast_in_dim3A_1164 = vector.broadcast %broadcast_in_dim3A_1163 : vector<1x160xf32> to vector<4x160xf32>
    %concatenate3A_1165 = tpu.concatenate %broadcast_in_dim3A_1162, %broadcast_in_dim3A_1164 in 0 : vector<4x160xf32>, vector<4x160xf32> -> vector<8x160xf32>
    %concatenate3A_1166 = tpu.concatenate %slice3A_1152, %slice3A_1153 in 0 : vector<1x160xf32>, vector<1x160xf32> -> vector<2x160xf32>
    %concatenate3A_1167 = tpu.concatenate %slice3A_1154, %slice3A_1155 in 0 : vector<1x160xf32>, vector<1x160xf32> -> vector<2x160xf32>
    %concatenate3A_1168 = tpu.concatenate %concatenate3A_1166, %concatenate3A_1166, %concatenate3A_1166, %concatenate3A_1166, %concatenate3A_1166, %concatenate3A_1166, %concatenate3A_1166, %concatenate3A_1166 in 0 : vector<2x160xf32>, vector<2x160xf32>, vector<2x160xf32>, vector<2x160xf32>, vector<2x160xf32>, vector<2x160xf32>, vector<2x160xf32>, vector<2x160xf32> -> vector<16x160xf32>
    %concatenate3A_1169 = tpu.concatenate %concatenate3A_1167, %concatenate3A_1167, %concatenate3A_1167, %concatenate3A_1167, %concatenate3A_1167, %concatenate3A_1167, %concatenate3A_1167, %concatenate3A_1167 in 0 : vector<2x160xf32>, vector<2x160xf32>, vector<2x160xf32>, vector<2x160xf32>, vector<2x160xf32>, vector<2x160xf32>, vector<2x160xf32>, vector<2x160xf32> -> vector<16x160xf32>
    %slice3A_1170 = vector.extract_strided_slice %concatenate3A_1093 {offsets = [0, 0], sizes = [8, 160], strides = [1, 1]} : vector<16x160xf32> to vector<8x160xf32>
    %slice3A_1171 = vector.extract_strided_slice %concatenate3A_1093 {offsets = [8, 0], sizes = [8, 160], strides = [1, 1]} : vector<16x160xf32> to vector<8x160xf32>
    %mul3A_1172 = arith.mulf %concatenate3A_1160, %slice3A_1170 : vector<8x160xf32>
    %mul3A_1173 = arith.mulf %concatenate3A_1165, %slice3A_1171 : vector<8x160xf32>
    %sub3A_1174 = arith.subf %mul3A_1172, %mul3A_1173 : vector<8x160xf32>
    %mul3A_1175 = arith.mulf %concatenate3A_1165, %slice3A_1170 : vector<8x160xf32>
    %mul3A_1176 = arith.mulf %concatenate3A_1160, %slice3A_1171 : vector<8x160xf32>
    %add3A_1177 = arith.addf %mul3A_1175, %mul3A_1176 : vector<8x160xf32>
    %concatenate3A_1178 = tpu.concatenate %sub3A_1174, %add3A_1177 in 0 : vector<8x160xf32>, vector<8x160xf32> -> vector<16x160xf32>
    %slice3A_1179 = vector.extract_strided_slice %concatenate3A_1178 {offsets = [2, 0], sizes = [14, 160], strides = [1, 1]} : vector<16x160xf32> to vector<14x160xf32>
    %slice3A_1180 = vector.extract_strided_slice %concatenate3A_1178 {offsets = [0, 0], sizes = [2, 160], strides = [1, 1]} : vector<16x160xf32> to vector<2x160xf32>
    %concatenate3A_1181 = tpu.concatenate %slice3A_1179, %slice3A_1180 in 0 : vector<14x160xf32>, vector<2x160xf32> -> vector<16x160xf32>
    %slice3A_1182 = vector.extract_strided_slice %concatenate3A_1178 {offsets = [14, 0], sizes = [2, 160], strides = [1, 1]} : vector<16x160xf32> to vector<2x160xf32>
    %slice3A_1183 = vector.extract_strided_slice %concatenate3A_1178 {offsets = [0, 0], sizes = [14, 160], strides = [1, 1]} : vector<16x160xf32> to vector<14x160xf32>
    %concatenate3A_1184 = tpu.concatenate %slice3A_1182, %slice3A_1183 in 0 : vector<2x160xf32>, vector<14x160xf32> -> vector<16x160xf32>
    %mul3A_1185 = arith.mulf %concatenate3A_1168, %concatenate3A_1178 : vector<16x160xf32>
    %mul3A_1186 = arith.mulf %concatenate3A_1169, %concatenate3A_1181 : vector<16x160xf32>
    %sub3A_1187 = arith.subf %mul3A_1185, %mul3A_1186 : vector<16x160xf32>
    %mul3A_1188 = arith.mulf %concatenate3A_1168, %concatenate3A_1178 : vector<16x160xf32>
    %mul3A_1189 = arith.mulf %concatenate3A_1169, %concatenate3A_1184 : vector<16x160xf32>
    %add3A_1190 = arith.addf %mul3A_1188, %mul3A_1189 : vector<16x160xf32>
    %select_n3A_1191 = arith.select %lt3A_232, %sub3A_1187, %add3A_1190 : vector<16x160xi1>, vector<16x160xf32>
    %slice3A_1192 = vector.extract_strided_slice %concatenate3A_1098 {offsets = [0, 0], sizes = [8, 160], strides = [1, 1]} : vector<16x160xf32> to vector<8x160xf32>
    %slice3A_1193 = vector.extract_strided_slice %concatenate3A_1098 {offsets = [8, 0], sizes = [8, 160], strides = [1, 1]} : vector<16x160xf32> to vector<8x160xf32>
    %mul3A_1194 = arith.mulf %concatenate3A_1160, %slice3A_1192 : vector<8x160xf32>
    %mul3A_1195 = arith.mulf %concatenate3A_1165, %slice3A_1193 : vector<8x160xf32>
    %sub3A_1196 = arith.subf %mul3A_1194, %mul3A_1195 : vector<8x160xf32>
    %mul3A_1197 = arith.mulf %concatenate3A_1165, %slice3A_1192 : vector<8x160xf32>
    %mul3A_1198 = arith.mulf %concatenate3A_1160, %slice3A_1193 : vector<8x160xf32>
    %add3A_1199 = arith.addf %mul3A_1197, %mul3A_1198 : vector<8x160xf32>
    %concatenate3A_1200 = tpu.concatenate %sub3A_1196, %add3A_1199 in 0 : vector<8x160xf32>, vector<8x160xf32> -> vector<16x160xf32>
    %slice3A_1201 = vector.extract_strided_slice %select_n3A_1191 {offsets = [0, 0], sizes = [1, 160], strides = [1, 1]} : vector<16x160xf32> to vector<1x160xf32>
    %slice3A_1202 = vector.extract_strided_slice %select_n3A_1191 {offsets = [2, 0], sizes = [1, 160], strides = [1, 1]} : vector<16x160xf32> to vector<1x160xf32>
    %slice3A_1203 = vector.extract_strided_slice %select_n3A_1191 {offsets = [3, 0], sizes = [1, 160], strides = [1, 1]} : vector<16x160xf32> to vector<1x160xf32>
    %slice3A_1204 = vector.extract_strided_slice %select_n3A_1191 {offsets = [1, 0], sizes = [1, 160], strides = [1, 1]} : vector<16x160xf32> to vector<1x160xf32>
    %slice3A_1205 = vector.extract_strided_slice %select_n3A_1191 {offsets = [8, 0], sizes = [1, 160], strides = [1, 1]} : vector<16x160xf32> to vector<1x160xf32>
    %slice3A_1206 = vector.extract_strided_slice %select_n3A_1191 {offsets = [10, 0], sizes = [1, 160], strides = [1, 1]} : vector<16x160xf32> to vector<1x160xf32>
    %slice3A_1207 = vector.extract_strided_slice %select_n3A_1191 {offsets = [11, 0], sizes = [1, 160], strides = [1, 1]} : vector<16x160xf32> to vector<1x160xf32>
    %slice3A_1208 = vector.extract_strided_slice %select_n3A_1191 {offsets = [9, 0], sizes = [1, 160], strides = [1, 1]} : vector<16x160xf32> to vector<1x160xf32>
    %slice3A_1209 = vector.extract_strided_slice %select_n3A_1191 {offsets = [12, 0], sizes = [1, 160], strides = [1, 1]} : vector<16x160xf32> to vector<1x160xf32>
    %slice3A_1210 = vector.extract_strided_slice %select_n3A_1191 {offsets = [14, 0], sizes = [1, 160], strides = [1, 1]} : vector<16x160xf32> to vector<1x160xf32>
    %slice3A_1211 = vector.extract_strided_slice %select_n3A_1191 {offsets = [15, 0], sizes = [1, 160], strides = [1, 1]} : vector<16x160xf32> to vector<1x160xf32>
    %slice3A_1212 = vector.extract_strided_slice %select_n3A_1191 {offsets = [13, 0], sizes = [1, 160], strides = [1, 1]} : vector<16x160xf32> to vector<1x160xf32>
    %slice3A_1213 = vector.extract_strided_slice %select_n3A_1191 {offsets = [4, 0], sizes = [1, 160], strides = [1, 1]} : vector<16x160xf32> to vector<1x160xf32>
    %slice3A_1214 = vector.extract_strided_slice %select_n3A_1191 {offsets = [6, 0], sizes = [1, 160], strides = [1, 1]} : vector<16x160xf32> to vector<1x160xf32>
    %slice3A_1215 = vector.extract_strided_slice %select_n3A_1191 {offsets = [7, 0], sizes = [1, 160], strides = [1, 1]} : vector<16x160xf32> to vector<1x160xf32>
    %slice3A_1216 = vector.extract_strided_slice %select_n3A_1191 {offsets = [5, 0], sizes = [1, 160], strides = [1, 1]} : vector<16x160xf32> to vector<1x160xf32>
    %concatenate3A_1217 = tpu.concatenate %slice3A_1201, %slice3A_1202, %slice3A_1203, %slice3A_1204, %slice3A_1205, %slice3A_1206, %slice3A_1207, %slice3A_1208, %slice3A_1209, %slice3A_1210, %slice3A_1211, %slice3A_1212, %slice3A_1213, %slice3A_1214, %slice3A_1215, %slice3A_1216 in 0 : vector<1x160xf32>, vector<1x160xf32>, vector<1x160xf32>, vector<1x160xf32>, vector<1x160xf32>, vector<1x160xf32>, vector<1x160xf32>, vector<1x160xf32>, vector<1x160xf32>, vector<1x160xf32>, vector<1x160xf32>, vector<1x160xf32>, vector<1x160xf32>, vector<1x160xf32>, vector<1x160xf32>, vector<1x160xf32> -> vector<16x160xf32>
    %slice3A_1218 = vector.extract_strided_slice %concatenate3A_1200 {offsets = [0, 0], sizes = [4, 160], strides = [1, 1]} : vector<16x160xf32> to vector<4x160xf32>
    %slice3A_1219 = vector.extract_strided_slice %concatenate3A_1200 {offsets = [8, 0], sizes = [4, 160], strides = [1, 1]} : vector<16x160xf32> to vector<4x160xf32>
    %slice3A_1220 = vector.extract_strided_slice %concatenate3A_1200 {offsets = [12, 0], sizes = [4, 160], strides = [1, 1]} : vector<16x160xf32> to vector<4x160xf32>
    %slice3A_1221 = vector.extract_strided_slice %concatenate3A_1200 {offsets = [4, 0], sizes = [4, 160], strides = [1, 1]} : vector<16x160xf32> to vector<4x160xf32>
    %concatenate3A_1222 = tpu.concatenate %slice3A_1218, %slice3A_1219, %slice3A_1220, %slice3A_1221 in 0 : vector<4x160xf32>, vector<4x160xf32>, vector<4x160xf32>, vector<4x160xf32> -> vector<16x160xf32>
    %slice3A_1223 = vector.extract_strided_slice %concatenate3A_1217 {offsets = [0, 0], sizes = [1, 160], strides = [1, 1]} : vector<16x160xf32> to vector<1x160xf32>
    %slice3A_1224 = vector.extract_strided_slice %concatenate3A_1217 {offsets = [5, 0], sizes = [1, 160], strides = [1, 1]} : vector<16x160xf32> to vector<1x160xf32>
    %concatenate3A_1225 = tpu.concatenate %slice3A_1223, %slice3A_1224 in 0 : vector<1x160xf32>, vector<1x160xf32> -> vector<2x160xf32>
    %slice3A_1226 = vector.extract_strided_slice %concatenate3A_1217 {offsets = [10, 0], sizes = [1, 160], strides = [1, 1]} : vector<16x160xf32> to vector<1x160xf32>
    %slice3A_1227 = vector.extract_strided_slice %concatenate3A_1217 {offsets = [15, 0], sizes = [1, 160], strides = [1, 1]} : vector<16x160xf32> to vector<1x160xf32>
    %concatenate3A_1228 = tpu.concatenate %slice3A_1226, %slice3A_1227 in 0 : vector<1x160xf32>, vector<1x160xf32> -> vector<2x160xf32>
    %slice3A_1229 = vector.extract_strided_slice %concatenate3A_1217 {offsets = [2, 0], sizes = [1, 160], strides = [1, 1]} : vector<16x160xf32> to vector<1x160xf32>
    %slice3A_1230 = vector.extract_strided_slice %concatenate3A_1217 {offsets = [7, 0], sizes = [1, 160], strides = [1, 1]} : vector<16x160xf32> to vector<1x160xf32>
    %concatenate3A_1231 = tpu.concatenate %slice3A_1229, %slice3A_1230 in 0 : vector<1x160xf32>, vector<1x160xf32> -> vector<2x160xf32>
    %eq3A_1232 = arith.constant 0.000000e+00 : f32
    %eq3A_1233 = vector.broadcast %eq3A_1232 : f32 to vector<2x160xf32>
    %eq3A_1234 = arith.cmpf oeq, %concatenate3A_1231, %eq3A_1233 : vector<2x160xf32>
    %jit3A_1235 = arith.constant 1.000000e+00 : f32
    %broadcast_in_dim3A_1236 = vector.broadcast %jit3A_1235 : f32 to vector<2x160xf32>
    %select_n3A_1237 = arith.select %eq3A_1234, %broadcast_in_dim3A_1236, %concatenate3A_1231 : vector<2x160xi1>, vector<2x160xf32>
    %sub3A_1238 = arith.subf %concatenate3A_1228, %concatenate3A_1225 : vector<2x160xf32>
    %mul3A_1239 = arith.constant 2.000000e+00 : f32
    %mul3A_1240 = vector.broadcast %mul3A_1239 : f32 to vector<2x160xf32>
    %mul3A_1241 = arith.mulf %mul3A_1240, %select_n3A_1237 : vector<2x160xf32>
    %div3A_1242 = arith.divf %sub3A_1238, %mul3A_1241 : vector<2x160xf32>
    %sign3A_1243 = tpu.bitcast %div3A_1242 : vector<2x160xf32> -> vector<2x160xi32>
    %sign3A_1244 = arith.constant -2147483648 : i32
    %sign3A_1245 = vector.broadcast %sign3A_1244 : i32 to vector<2x160xi32>
    %sign3A_1246 = arith.andi %sign3A_1243, %sign3A_1245 : vector<2x160xi32>
    %sign3A_1247 = arith.constant 1065353216 : i32
    %sign3A_1248 = vector.broadcast %sign3A_1247 : i32 to vector<2x160xi32>
    %sign3A_1249 = arith.ori %sign3A_1248, %sign3A_1246 : vector<2x160xi32>
    %sign3A_1250 = tpu.bitcast %sign3A_1249 : vector<2x160xi32> -> vector<2x160xf32>
    %sign3A_1251 = math.absf %div3A_1242 : vector<2x160xf32>
    %sign3A_1252 = arith.constant 0.000000e+00 : f32
    %sign3A_1253 = vector.broadcast %sign3A_1252 : f32 to vector<2x160xf32>
    %sign3A_1254 = arith.cmpf ogt, %sign3A_1251, %sign3A_1253 : vector<2x160xf32>
    %sign3A_1255 = arith.select %sign3A_1254, %sign3A_1250, %div3A_1242 : vector<2x160xi1>, vector<2x160xf32>
    %abs3A_1256 = math.absf %div3A_1242 : vector<2x160xf32>
    %mul3A_1257 = arith.mulf %div3A_1242, %div3A_1242 : vector<2x160xf32>
    %add3A_1258 = arith.constant 1.000000e+00 : f32
    %add3A_1259 = vector.broadcast %add3A_1258 : f32 to vector<2x160xf32>
    %add3A_1260 = arith.addf %add3A_1259, %mul3A_1257 : vector<2x160xf32>
    %sqrt3A_1261 = math.sqrt %add3A_1260 : vector<2x160xf32>
    %add3A_1262 = arith.addf %abs3A_1256, %sqrt3A_1261 : vector<2x160xf32>
    %div3A_1263 = arith.divf %sign3A_1255, %add3A_1262 : vector<2x160xf32>
    %jit3A_1264 = arith.constant 0.000000e+00 : f32
    %broadcast_in_dim3A_1265 = vector.broadcast %jit3A_1264 : f32 to vector<2x160xf32>
    %select_n3A_1266 = arith.select %eq3A_1234, %broadcast_in_dim3A_1265, %div3A_1263 : vector<2x160xi1>, vector<2x160xf32>
    %mul3A_1267 = arith.mulf %select_n3A_1266, %select_n3A_1266 : vector<2x160xf32>
    %add3A_1268 = arith.constant 1.000000e+00 : f32
    %add3A_1269 = vector.broadcast %add3A_1268 : f32 to vector<2x160xf32>
    %add3A_1270 = arith.addf %add3A_1269, %mul3A_1267 : vector<2x160xf32>
    %sqrt3A_1271 = math.sqrt %add3A_1270 : vector<2x160xf32>
    %div3A_1272 = arith.constant 1.000000e+00 : f32
    %div3A_1273 = vector.broadcast %div3A_1272 : f32 to vector<2x160xf32>
    %div3A_1274 = arith.divf %div3A_1273, %sqrt3A_1271 : vector<2x160xf32>
    %mul3A_1275 = arith.mulf %select_n3A_1266, %div3A_1274 : vector<2x160xf32>
    %slice3A_1276 = vector.extract_strided_slice %div3A_1274 {offsets = [0, 0], sizes = [1, 160], strides = [1, 1]} : vector<2x160xf32> to vector<1x160xf32>
    %slice3A_1277 = vector.extract_strided_slice %div3A_1274 {offsets = [1, 0], sizes = [1, 160], strides = [1, 1]} : vector<2x160xf32> to vector<1x160xf32>
    %slice3A_1278 = vector.extract_strided_slice %mul3A_1275 {offsets = [0, 0], sizes = [1, 160], strides = [1, 1]} : vector<2x160xf32> to vector<1x160xf32>
    %slice3A_1279 = vector.extract_strided_slice %mul3A_1275 {offsets = [1, 0], sizes = [1, 160], strides = [1, 1]} : vector<2x160xf32> to vector<1x160xf32>
    %broadcast_in_dim3A_1280 = vector.shape_cast %slice3A_1276 : vector<1x160xf32> to vector<1x160xf32>
    %broadcast_in_dim3A_1281 = vector.broadcast %broadcast_in_dim3A_1280 : vector<1x160xf32> to vector<4x160xf32>
    %broadcast_in_dim3A_1282 = vector.shape_cast %slice3A_1277 : vector<1x160xf32> to vector<1x160xf32>
    %broadcast_in_dim3A_1283 = vector.broadcast %broadcast_in_dim3A_1282 : vector<1x160xf32> to vector<4x160xf32>
    %concatenate3A_1284 = tpu.concatenate %broadcast_in_dim3A_1281, %broadcast_in_dim3A_1283 in 0 : vector<4x160xf32>, vector<4x160xf32> -> vector<8x160xf32>
    %broadcast_in_dim3A_1285 = vector.shape_cast %slice3A_1278 : vector<1x160xf32> to vector<1x160xf32>
    %broadcast_in_dim3A_1286 = vector.broadcast %broadcast_in_dim3A_1285 : vector<1x160xf32> to vector<4x160xf32>
    %broadcast_in_dim3A_1287 = vector.shape_cast %slice3A_1279 : vector<1x160xf32> to vector<1x160xf32>
    %broadcast_in_dim3A_1288 = vector.broadcast %broadcast_in_dim3A_1287 : vector<1x160xf32> to vector<4x160xf32>
    %concatenate3A_1289 = tpu.concatenate %broadcast_in_dim3A_1286, %broadcast_in_dim3A_1288 in 0 : vector<4x160xf32>, vector<4x160xf32> -> vector<8x160xf32>
    %concatenate3A_1290 = tpu.concatenate %slice3A_1276, %slice3A_1277 in 0 : vector<1x160xf32>, vector<1x160xf32> -> vector<2x160xf32>
    %concatenate3A_1291 = tpu.concatenate %slice3A_1278, %slice3A_1279 in 0 : vector<1x160xf32>, vector<1x160xf32> -> vector<2x160xf32>
    %concatenate3A_1292 = tpu.concatenate %concatenate3A_1290, %concatenate3A_1290, %concatenate3A_1290, %concatenate3A_1290, %concatenate3A_1290, %concatenate3A_1290, %concatenate3A_1290, %concatenate3A_1290 in 0 : vector<2x160xf32>, vector<2x160xf32>, vector<2x160xf32>, vector<2x160xf32>, vector<2x160xf32>, vector<2x160xf32>, vector<2x160xf32>, vector<2x160xf32> -> vector<16x160xf32>
    %concatenate3A_1293 = tpu.concatenate %concatenate3A_1291, %concatenate3A_1291, %concatenate3A_1291, %concatenate3A_1291, %concatenate3A_1291, %concatenate3A_1291, %concatenate3A_1291, %concatenate3A_1291 in 0 : vector<2x160xf32>, vector<2x160xf32>, vector<2x160xf32>, vector<2x160xf32>, vector<2x160xf32>, vector<2x160xf32>, vector<2x160xf32>, vector<2x160xf32> -> vector<16x160xf32>
    %slice3A_1294 = vector.extract_strided_slice %concatenate3A_1217 {offsets = [0, 0], sizes = [8, 160], strides = [1, 1]} : vector<16x160xf32> to vector<8x160xf32>
    %slice3A_1295 = vector.extract_strided_slice %concatenate3A_1217 {offsets = [8, 0], sizes = [8, 160], strides = [1, 1]} : vector<16x160xf32> to vector<8x160xf32>
    %mul3A_1296 = arith.mulf %concatenate3A_1284, %slice3A_1294 : vector<8x160xf32>
    %mul3A_1297 = arith.mulf %concatenate3A_1289, %slice3A_1295 : vector<8x160xf32>
    %sub3A_1298 = arith.subf %mul3A_1296, %mul3A_1297 : vector<8x160xf32>
    %mul3A_1299 = arith.mulf %concatenate3A_1289, %slice3A_1294 : vector<8x160xf32>
    %mul3A_1300 = arith.mulf %concatenate3A_1284, %slice3A_1295 : vector<8x160xf32>
    %add3A_1301 = arith.addf %mul3A_1299, %mul3A_1300 : vector<8x160xf32>
    %concatenate3A_1302 = tpu.concatenate %sub3A_1298, %add3A_1301 in 0 : vector<8x160xf32>, vector<8x160xf32> -> vector<16x160xf32>
    %slice3A_1303 = vector.extract_strided_slice %concatenate3A_1302 {offsets = [2, 0], sizes = [14, 160], strides = [1, 1]} : vector<16x160xf32> to vector<14x160xf32>
    %slice3A_1304 = vector.extract_strided_slice %concatenate3A_1302 {offsets = [0, 0], sizes = [2, 160], strides = [1, 1]} : vector<16x160xf32> to vector<2x160xf32>
    %concatenate3A_1305 = tpu.concatenate %slice3A_1303, %slice3A_1304 in 0 : vector<14x160xf32>, vector<2x160xf32> -> vector<16x160xf32>
    %slice3A_1306 = vector.extract_strided_slice %concatenate3A_1302 {offsets = [14, 0], sizes = [2, 160], strides = [1, 1]} : vector<16x160xf32> to vector<2x160xf32>
    %slice3A_1307 = vector.extract_strided_slice %concatenate3A_1302 {offsets = [0, 0], sizes = [14, 160], strides = [1, 1]} : vector<16x160xf32> to vector<14x160xf32>
    %concatenate3A_1308 = tpu.concatenate %slice3A_1306, %slice3A_1307 in 0 : vector<2x160xf32>, vector<14x160xf32> -> vector<16x160xf32>
    %mul3A_1309 = arith.mulf %concatenate3A_1292, %concatenate3A_1302 : vector<16x160xf32>
    %mul3A_1310 = arith.mulf %concatenate3A_1293, %concatenate3A_1305 : vector<16x160xf32>
    %sub3A_1311 = arith.subf %mul3A_1309, %mul3A_1310 : vector<16x160xf32>
    %mul3A_1312 = arith.mulf %concatenate3A_1292, %concatenate3A_1302 : vector<16x160xf32>
    %mul3A_1313 = arith.mulf %concatenate3A_1293, %concatenate3A_1308 : vector<16x160xf32>
    %add3A_1314 = arith.addf %mul3A_1312, %mul3A_1313 : vector<16x160xf32>
    %select_n3A_1315 = arith.select %lt3A_232, %sub3A_1311, %add3A_1314 : vector<16x160xi1>, vector<16x160xf32>
    %slice3A_1316 = vector.extract_strided_slice %concatenate3A_1222 {offsets = [0, 0], sizes = [8, 160], strides = [1, 1]} : vector<16x160xf32> to vector<8x160xf32>
    %slice3A_1317 = vector.extract_strided_slice %concatenate3A_1222 {offsets = [8, 0], sizes = [8, 160], strides = [1, 1]} : vector<16x160xf32> to vector<8x160xf32>
    %mul3A_1318 = arith.mulf %concatenate3A_1284, %slice3A_1316 : vector<8x160xf32>
    %mul3A_1319 = arith.mulf %concatenate3A_1289, %slice3A_1317 : vector<8x160xf32>
    %sub3A_1320 = arith.subf %mul3A_1318, %mul3A_1319 : vector<8x160xf32>
    %mul3A_1321 = arith.mulf %concatenate3A_1289, %slice3A_1316 : vector<8x160xf32>
    %mul3A_1322 = arith.mulf %concatenate3A_1284, %slice3A_1317 : vector<8x160xf32>
    %add3A_1323 = arith.addf %mul3A_1321, %mul3A_1322 : vector<8x160xf32>
    %concatenate3A_1324 = tpu.concatenate %sub3A_1320, %add3A_1323 in 0 : vector<8x160xf32>, vector<8x160xf32> -> vector<16x160xf32>
    %slice3A_1325 = vector.extract_strided_slice %select_n3A_1315 {offsets = [0, 0], sizes = [1, 160], strides = [1, 1]} : vector<16x160xf32> to vector<1x160xf32>
    %slice3A_1326 = vector.extract_strided_slice %select_n3A_1315 {offsets = [2, 0], sizes = [1, 160], strides = [1, 1]} : vector<16x160xf32> to vector<1x160xf32>
    %slice3A_1327 = vector.extract_strided_slice %select_n3A_1315 {offsets = [3, 0], sizes = [1, 160], strides = [1, 1]} : vector<16x160xf32> to vector<1x160xf32>
    %slice3A_1328 = vector.extract_strided_slice %select_n3A_1315 {offsets = [1, 0], sizes = [1, 160], strides = [1, 1]} : vector<16x160xf32> to vector<1x160xf32>
    %slice3A_1329 = vector.extract_strided_slice %select_n3A_1315 {offsets = [8, 0], sizes = [1, 160], strides = [1, 1]} : vector<16x160xf32> to vector<1x160xf32>
    %slice3A_1330 = vector.extract_strided_slice %select_n3A_1315 {offsets = [10, 0], sizes = [1, 160], strides = [1, 1]} : vector<16x160xf32> to vector<1x160xf32>
    %slice3A_1331 = vector.extract_strided_slice %select_n3A_1315 {offsets = [11, 0], sizes = [1, 160], strides = [1, 1]} : vector<16x160xf32> to vector<1x160xf32>
    %slice3A_1332 = vector.extract_strided_slice %select_n3A_1315 {offsets = [9, 0], sizes = [1, 160], strides = [1, 1]} : vector<16x160xf32> to vector<1x160xf32>
    %slice3A_1333 = vector.extract_strided_slice %select_n3A_1315 {offsets = [12, 0], sizes = [1, 160], strides = [1, 1]} : vector<16x160xf32> to vector<1x160xf32>
    %slice3A_1334 = vector.extract_strided_slice %select_n3A_1315 {offsets = [14, 0], sizes = [1, 160], strides = [1, 1]} : vector<16x160xf32> to vector<1x160xf32>
    %slice3A_1335 = vector.extract_strided_slice %select_n3A_1315 {offsets = [15, 0], sizes = [1, 160], strides = [1, 1]} : vector<16x160xf32> to vector<1x160xf32>
    %slice3A_1336 = vector.extract_strided_slice %select_n3A_1315 {offsets = [13, 0], sizes = [1, 160], strides = [1, 1]} : vector<16x160xf32> to vector<1x160xf32>
    %slice3A_1337 = vector.extract_strided_slice %select_n3A_1315 {offsets = [4, 0], sizes = [1, 160], strides = [1, 1]} : vector<16x160xf32> to vector<1x160xf32>
    %slice3A_1338 = vector.extract_strided_slice %select_n3A_1315 {offsets = [6, 0], sizes = [1, 160], strides = [1, 1]} : vector<16x160xf32> to vector<1x160xf32>
    %slice3A_1339 = vector.extract_strided_slice %select_n3A_1315 {offsets = [7, 0], sizes = [1, 160], strides = [1, 1]} : vector<16x160xf32> to vector<1x160xf32>
    %slice3A_1340 = vector.extract_strided_slice %select_n3A_1315 {offsets = [5, 0], sizes = [1, 160], strides = [1, 1]} : vector<16x160xf32> to vector<1x160xf32>
    %concatenate3A_1341 = tpu.concatenate %slice3A_1325, %slice3A_1326, %slice3A_1327, %slice3A_1328, %slice3A_1329, %slice3A_1330, %slice3A_1331, %slice3A_1332, %slice3A_1333, %slice3A_1334, %slice3A_1335, %slice3A_1336, %slice3A_1337, %slice3A_1338, %slice3A_1339, %slice3A_1340 in 0 : vector<1x160xf32>, vector<1x160xf32>, vector<1x160xf32>, vector<1x160xf32>, vector<1x160xf32>, vector<1x160xf32>, vector<1x160xf32>, vector<1x160xf32>, vector<1x160xf32>, vector<1x160xf32>, vector<1x160xf32>, vector<1x160xf32>, vector<1x160xf32>, vector<1x160xf32>, vector<1x160xf32>, vector<1x160xf32> -> vector<16x160xf32>
    %slice3A_1342 = vector.extract_strided_slice %concatenate3A_1324 {offsets = [0, 0], sizes = [4, 160], strides = [1, 1]} : vector<16x160xf32> to vector<4x160xf32>
    %slice3A_1343 = vector.extract_strided_slice %concatenate3A_1324 {offsets = [8, 0], sizes = [4, 160], strides = [1, 1]} : vector<16x160xf32> to vector<4x160xf32>
    %slice3A_1344 = vector.extract_strided_slice %concatenate3A_1324 {offsets = [12, 0], sizes = [4, 160], strides = [1, 1]} : vector<16x160xf32> to vector<4x160xf32>
    %slice3A_1345 = vector.extract_strided_slice %concatenate3A_1324 {offsets = [4, 0], sizes = [4, 160], strides = [1, 1]} : vector<16x160xf32> to vector<4x160xf32>
    %concatenate3A_1346 = tpu.concatenate %slice3A_1342, %slice3A_1343, %slice3A_1344, %slice3A_1345 in 0 : vector<4x160xf32>, vector<4x160xf32>, vector<4x160xf32>, vector<4x160xf32> -> vector<16x160xf32>
    %slice3A_1347 = vector.extract_strided_slice %concatenate3A_1341 {offsets = [0, 0], sizes = [1, 160], strides = [1, 1]} : vector<16x160xf32> to vector<1x160xf32>
    %slice3A_1348 = vector.extract_strided_slice %concatenate3A_1341 {offsets = [5, 0], sizes = [1, 160], strides = [1, 1]} : vector<16x160xf32> to vector<1x160xf32>
    %slice3A_1349 = vector.extract_strided_slice %concatenate3A_1341 {offsets = [10, 0], sizes = [1, 160], strides = [1, 1]} : vector<16x160xf32> to vector<1x160xf32>
    %slice3A_1350 = vector.extract_strided_slice %concatenate3A_1346 {offsets = [0, 0], sizes = [3, 160], strides = [1, 1]} : vector<16x160xf32> to vector<3x160xf32>
    %slice3A_1351 = vector.extract_strided_slice %concatenate3A_1346 {offsets = [4, 0], sizes = [3, 160], strides = [1, 1]} : vector<16x160xf32> to vector<3x160xf32>
    %slice3A_1352 = vector.extract_strided_slice %concatenate3A_1346 {offsets = [8, 0], sizes = [3, 160], strides = [1, 1]} : vector<16x160xf32> to vector<3x160xf32>
    %lt3A_1353 = arith.cmpf olt, %slice3A_1348, %slice3A_1347 : vector<1x160xf32>
    %select_n3A_1354 = arith.select %lt3A_1353, %slice3A_1348, %slice3A_1347 : vector<1x160xi1>, vector<1x160xf32>
    %broadcast_in_dim3A_1355 = vector.shape_cast %lt3A_1353 : vector<1x160xi1> to vector<1x160xi1>
    %broadcast_in_dim3A_1356 = vector.broadcast %broadcast_in_dim3A_1355 : vector<1x160xi1> to vector<3x160xi1>
    %select_n3A_1357 = arith.select %broadcast_in_dim3A_1356, %slice3A_1351, %slice3A_1350 : vector<3x160xi1>, vector<3x160xf32>
    %select_n3A_1358 = arith.select %lt3A_1353, %slice3A_1347, %slice3A_1348 : vector<1x160xi1>, vector<1x160xf32>
    %broadcast_in_dim3A_1359 = vector.shape_cast %lt3A_1353 : vector<1x160xi1> to vector<1x160xi1>
    %broadcast_in_dim3A_1360 = vector.broadcast %broadcast_in_dim3A_1359 : vector<1x160xi1> to vector<3x160xi1>
    %select_n3A_1361 = arith.select %broadcast_in_dim3A_1360, %slice3A_1350, %slice3A_1351 : vector<3x160xi1>, vector<3x160xf32>
    %lt3A_1362 = arith.cmpf olt, %slice3A_1349, %select_n3A_1358 : vector<1x160xf32>
    %select_n3A_1363 = arith.select %lt3A_1362, %slice3A_1349, %select_n3A_1358 : vector<1x160xi1>, vector<1x160xf32>
    %broadcast_in_dim3A_1364 = vector.shape_cast %lt3A_1362 : vector<1x160xi1> to vector<1x160xi1>
    %broadcast_in_dim3A_1365 = vector.broadcast %broadcast_in_dim3A_1364 : vector<1x160xi1> to vector<3x160xi1>
    %select_n3A_1366 = arith.select %broadcast_in_dim3A_1365, %slice3A_1352, %select_n3A_1361 : vector<3x160xi1>, vector<3x160xf32>
    %select_n3A_1367 = arith.select %lt3A_1362, %select_n3A_1358, %slice3A_1349 : vector<1x160xi1>, vector<1x160xf32>
    %broadcast_in_dim3A_1368 = vector.shape_cast %lt3A_1362 : vector<1x160xi1> to vector<1x160xi1>
    %broadcast_in_dim3A_1369 = vector.broadcast %broadcast_in_dim3A_1368 : vector<1x160xi1> to vector<3x160xi1>
    %select_n3A_1370 = arith.select %broadcast_in_dim3A_1369, %select_n3A_1361, %slice3A_1352 : vector<3x160xi1>, vector<3x160xf32>
    %lt3A_1371 = arith.cmpf olt, %select_n3A_1363, %select_n3A_1354 : vector<1x160xf32>
    %select_n3A_1372 = arith.select %lt3A_1371, %select_n3A_1363, %select_n3A_1354 : vector<1x160xi1>, vector<1x160xf32>
    %broadcast_in_dim3A_1373 = vector.shape_cast %lt3A_1371 : vector<1x160xi1> to vector<1x160xi1>
    %broadcast_in_dim3A_1374 = vector.broadcast %broadcast_in_dim3A_1373 : vector<1x160xi1> to vector<3x160xi1>
    %select_n3A_1375 = arith.select %broadcast_in_dim3A_1374, %select_n3A_1366, %select_n3A_1357 : vector<3x160xi1>, vector<3x160xf32>
    %select_n3A_1376 = arith.select %lt3A_1371, %select_n3A_1354, %select_n3A_1363 : vector<1x160xi1>, vector<1x160xf32>
    %broadcast_in_dim3A_1377 = vector.shape_cast %lt3A_1371 : vector<1x160xi1> to vector<1x160xi1>
    %broadcast_in_dim3A_1378 = vector.broadcast %broadcast_in_dim3A_1377 : vector<1x160xi1> to vector<3x160xi1>
    %select_n3A_1379 = arith.select %broadcast_in_dim3A_1378, %select_n3A_1357, %select_n3A_1366 : vector<3x160xi1>, vector<3x160xf32>
    %abs3A_1380 = math.absf %select_n3A_1372 : vector<1x160xf32>
    %abs3A_1381 = math.absf %select_n3A_1376 : vector<1x160xf32>
    %abs3A_1382 = math.absf %select_n3A_1367 : vector<1x160xf32>
    %le3A = arith.cmpf ole, %abs3A_1380, %abs3A_1381 : vector<1x160xf32>
    %broadcast_in_dim3A_1383 = vector.shape_cast %le3A : vector<1x160xi1> to vector<1x160xi1>
    %broadcast_in_dim3A_1384 = vector.broadcast %broadcast_in_dim3A_1383 : vector<1x160xi1> to vector<3x160xi1>
    %select_n3A_1385 = arith.select %broadcast_in_dim3A_1384, %select_n3A_1375, %select_n3A_1379 : vector<3x160xi1>, vector<3x160xf32>
    %min3A = arith.minimumf %abs3A_1380, %abs3A_1381 : vector<1x160xf32>
    %le3A_1386 = arith.cmpf ole, %min3A, %abs3A_1382 : vector<1x160xf32>
    %broadcast_in_dim3A_1387 = vector.shape_cast %le3A_1386 : vector<1x160xi1> to vector<1x160xi1>
    %broadcast_in_dim3A_1388 = vector.broadcast %broadcast_in_dim3A_1387 : vector<1x160xi1> to vector<3x160xi1>
    %select_n3A_1389 = arith.select %broadcast_in_dim3A_1388, %select_n3A_1385, %select_n3A_1370 : vector<3x160xi1>, vector<3x160xf32>
    %broadcast_in_dim3A_1390 = arith.constant 0.000000e+00 : f32
    %broadcast_in_dim3A_1391 = vector.broadcast %broadcast_in_dim3A_1390 : f32 to vector<5x160xf32>
    %concatenate3A_1392 = tpu.concatenate %select_n3A_1389, %broadcast_in_dim3A_1391 in 0 : vector<3x160xf32>, vector<5x160xf32> -> vector<8x160xf32>
    %swap3A_1393 = arith.constant 0 : index
    %swap3A_1394 = arith.constant 0 : index
    %swap3A_1395 = arith.constant 0 : index
    %swap3A_1396 = vector.load %arg16[%swap3A_1393, %swap3A_1394, %swap3A_1395] : memref<1x8x160xf32, #tpu.memory_space<vmem>>, vector<1x8x160xf32>
    %swap3A_1397 = vector.shape_cast %swap3A_1396 : vector<1x8x160xf32> to vector<8x160xf32>
    %swap3A_1398 = vector.shape_cast %concatenate3A_1392 : vector<8x160xf32> to vector<1x8x160xf32>
    tpu.vector_store %arg16[%swap3A_1393, %swap3A_1394, %swap3A_1395], %swap3A_1398 {strides = array<i32>} : memref<1x8x160xf32, #tpu.memory_space<vmem>>, vector<1x8x160xf32>,
    return
  }
  func.func @transform_0(%arg0: i32) -> (i32, i32) {
    %c0_i32 = arith.constant 0 : i32
    %c0_i32_0 = arith.constant 0 : i32
    return %arg0, %c0_i32 : i32, i32
  }
  func.func @transform_1(%arg0: i32) -> (i32, i32, i32) {
    %c0_i32 = arith.constant 0 : i32
    %c0_i32_0 = arith.constant 0 : i32
    %c0_i32_1 = arith.constant 0 : i32
    return %arg0, %c0_i32, %c0_i32_0 : i32, i32, i32
  }
  func.func @transform_2(%arg0: i32) -> (i32, i32, i32) {
    %c0_i32 = arith.constant 0 : i32
    %c0_i32_0 = arith.constant 0 : i32
    %c0_i32_1 = arith.constant 0 : i32
    return %arg0, %c0_i32, %c0_i32_0 : i32, i32, i32
  }
  func.func @transform_3(%arg0: i32) -> (i32, i32) {
    %c0_i32 = arith.constant 0 : i32
    %c0_i32_0 = arith.constant 0 : i32
    %c0_i32_1 = arith.constant 0 : i32
    return %c0_i32, %c0_i32_0 : i32, i32
  }
  func.func @transform_4(%arg0: i32) -> (i32, i32) {
    %c0_i32 = arith.constant 0 : i32
    %c0_i32_0 = arith.constant 0 : i32
    %c0_i32_1 = arith.constant 0 : i32
    return %c0_i32, %c0_i32_0 : i32, i32
  }
  func.func @transform_5(%arg0: i32) -> (i32, i32) {
    %c0_i32 = arith.constant 0 : i32
    %c0_i32_0 = arith.constant 0 : i32
    %c0_i32_1 = arith.constant 0 : i32
    return %c0_i32, %c0_i32_0 : i32, i32
  }
  func.func @transform_6(%arg0: i32) -> (i32, i32) {
    %c0_i32 = arith.constant 0 : i32
    %c0_i32_0 = arith.constant 0 : i32
    %c0_i32_1 = arith.constant 0 : i32
    return %c0_i32, %c0_i32_0 : i32, i32
  }
  func.func @transform_7(%arg0: i32) -> (i32, i32) {
    %c0_i32 = arith.constant 0 : i32
    %c0_i32_0 = arith.constant 0 : i32
    %c0_i32_1 = arith.constant 0 : i32
    return %c0_i32, %c0_i32_0 : i32, i32
  }
  func.func @transform_8(%arg0: i32) -> (i32, i32) {
    %c0_i32 = arith.constant 0 : i32
    %c0_i32_0 = arith.constant 0 : i32
    %c0_i32_1 = arith.constant 0 : i32
    return %c0_i32, %c0_i32_0 : i32, i32
  }
  func.func @transform_9(%arg0: i32) -> (i32, i32) {
    %c0_i32 = arith.constant 0 : i32
    %c0_i32_0 = arith.constant 0 : i32
    %c0_i32_1 = arith.constant 0 : i32
    return %c0_i32, %c0_i32_0 : i32, i32
  }
  func.func @transform_10(%arg0: i32) -> (i32, i32) {
    %c0_i32 = arith.constant 0 : i32
    %c0_i32_0 = arith.constant 0 : i32
    %c0_i32_1 = arith.constant 0 : i32
    return %c0_i32, %c0_i32_0 : i32, i32
  }
  func.func @transform_11(%arg0: i32) -> (i32, i32) {
    %c0_i32 = arith.constant 0 : i32
    %c0_i32_0 = arith.constant 0 : i32
    %c0_i32_1 = arith.constant 0 : i32
    return %c0_i32, %c0_i32_0 : i32, i32
  }
  func.func @transform_12(%arg0: i32) -> (i32, i32) {
    %c0_i32 = arith.constant 0 : i32
    %c0_i32_0 = arith.constant 0 : i32
    %c0_i32_1 = arith.constant 0 : i32
    return %c0_i32, %c0_i32_0 : i32, i32
  }
  func.func @transform_13(%arg0: i32) -> (i32, i32) {
    %c0_i32 = arith.constant 0 : i32
    %c0_i32_0 = arith.constant 0 : i32
    %c0_i32_1 = arith.constant 0 : i32
    return %c0_i32, %c0_i32_0 : i32, i32
  }
  func.func @transform_14(%arg0: i32) -> (i32, i32) {
    %c0_i32 = arith.constant 0 : i32
    %c0_i32_0 = arith.constant 0 : i32
    %c0_i32_1 = arith.constant 0 : i32
    return %c0_i32, %c0_i32_0 : i32, i32
  }
  func.func @transform_15(%arg0: i32) -> (i32, i32, i32) {
    %c0_i32 = arith.constant 0 : i32
    %c0_i32_0 = arith.constant 0 : i32
    %c0_i32_1 = arith.constant 0 : i32
    return %arg0, %c0_i32, %c0_i32_0 : i32, i32, i32
  }
  func.func @transform_16(%arg0: i32) -> (i32, i32, i32) {
    %c0_i32 = arith.constant 0 : i32
    %c0_i32_0 = arith.constant 0 : i32
    %c0_i32_1 = arith.constant 0 : i32
    return %arg0, %c0_i32, %c0_i32_0 : i32, i32, i32
  }
}

</mosaic_0001>

<sc_bundles>
// kernel: kernel.4.cloned.1.call-start
scs
__scs_entry_jumppad:
0x0: {  	(pc) =	sbr.rel $0x88, $3  }
0x1: {  	(tag) =	ssettag $0x0;
	lr =	simm.s32 $0x1  }
0x2: {  	[smem:$0x3F94] =	sst lr;
	_ =	strace $0xD0000000  }
0x3: {  	_ = 	snop  }
0x4: {  	_ = 	snop  }
0x5: {  	_ = 	snop  }
0x6: {  	_ = 	snop  }
0x7: {  	_ = 	snop  }
__scs_overlays_trampoline_lowered:
0x8: {  	[smem:$0x3FA3] =	sst s0  }
0x9: {  	[smem:$0x3FA4] =	sst s1  }
0xa: {  	[smem:$0x3FA5] =	sst s2  }
0xb: {  	[smem:$0x3FA6] =	sst s3  }
0xc: {  	[smem:$0x3FA7] =	sst s4  }
0xd: {  	[smem:$0x3FA8] =	sst s5  }
0xe: {  	[smem:$0x3FA9] =	sst s6  }
0xf: {  	[smem:$0x3FAA] =	sst s7  }
0x10: {  	[smem:$0x3FAB] =	sst s8  }
0x11: {  	[smem:$0x3FAC] =	sst s9;
	s0 =	simm.s32 @!p0 $0x0  }
0x12: {  	s1 =	sld [smem:$0x3F92];
	s0 =	simm.s32 @p0 $0x1  }
0x13: {  	[smem:$0x3FAD] =	sst s0;
	s0 =	simm.s32 @!p1 $0x0  }
0x14: {  	s2 =	sld [smem:$0x3F91];
	s0 =	simm.s32 @p1 $0x1  }
0x15: {  	[smem:$0x3FAE] =	sst s0;
	s0 =	simm.s32 @!p2 $0x0  }
0x16: {  	s3 =	sld [smem:$0x3FDB];
	s0 =	simm.s32 @p2 $0x1  }
0x17: {  	s4 =	simm.s32 $0x1BF5;
	[smem:$0x3FB0] =	sst s0  }
0x18: {  	s0 =	sld [smem:$0x3F93];
	_ =	swait.ge [sflag:s4], $0x0  }
0x19: {  	s7 =	sld [smem:$0x3F94]  }
0x1a: {  	s8 =	sadd.s32 $0xFFFFE003, lr  }
0x1b: {  	s9 =	sadd.s32 $0xFFFFFEF7, lr;
	s5 =	simm.s32 $0xFFFFFFFF;
	p2 =	slt.u32 s8, $0xFFFFF086  }
0x1c: {  	p1 =	slt.u32 s9, $0xF7A;
	s5 =	simm.s32 @!p2 $0x0  }
0x1d: {  	s5 =	simm.s32 @p1 $0x1;
	p0 =	seq.s32 s7, s2  }
0x1e: {  	s7 =	smul.u32 @!p0 $0xF7A, s2;
	p2 =	seq.s32 @!p0 s5, $0x0  }
0x1f: {  	s9 =	smul.u32 $0xF7A, s1;
	s8 =	simm.s32 @!p0 $0x1BF5;
	p2 =	por !p2, p0  }
0x20: {  	[sflag:s8] =	ssyncset.s32 @!p0 $0xFFFFF086;
	s6 =	sadd.s32 @!p0 s3, s7;
	s7 =	simm.s32 @!p0 $0x108  }
0x21: {  	s3 =	sadd.s32 s3, s9;
	s6 =	sadd.s32 @!p0 $0x88, s6;
	s7 =	simm.s32 @p2 $0x1082  }
0x22: {  	[simem:s7], [sflag:s8] =	dma.local @!p0 [hbm:s6], $0xF7A  }
0x23: {  	s9 =	sor.u32 $0xD0000000, s2;
	s6 =	simm.s32 $0x108;
	_ =	swait.ge @!p0 [sflag:s8], $0x0  }
0x24: {  	s3 =	sadd.s32 $0x88, s3;
	s6 =	simm.s32 @!p1 $0x1082;
	[sflag:s4] =	ssyncset.s32 $0xFFFFF086  }
0x25: {  	[simem:s6], [sflag:s4] =	dma.local [hbm:s3], $0xF7A  }
0x26: {  	[smem:$0x3F94] =	sst s1;
	(tag) =	ssettag s2;
	_ =	strace s9  }
0x27: {  	s1 =	sld [smem:$0x3FA4]  }
0x28: {  	s2 =	sld [smem:$0x3FA5]  }
0x29: {  	s4 =	sld [smem:$0x3FA7]  }
0x2a: {  	p0 =	seq.s32 s5, $0x0;
	s5 =	sld [smem:$0x3FA8]  }
0x2b: {  	s6 =	sld [smem:$0x3FA9]  }
0x2c: {  	s7 =	sld [smem:$0x3FAA]  }
0x2d: {  	s3 =	simm.s32 $0x108;
	s8 =	sld [smem:$0x3FAB]  }
0x2e: {  	s3 =	simm.s32 @!p0 $0x1082;
	s9 =	sld [smem:$0x3FAC]  }
0x2f: {  	lr =	sadd.s32 s0, s3;
	s0 =	sld [smem:$0x3FA3]  }
0x30: {  	s3 =	sld [smem:$0x3FA6]  }
0x31: {  	[smem:$0x3FAF] =	sst s10  }
0x32: {  	s10 =	sld [smem:$0x3FAD];
	_ =	sdelay $0x3  }
0x33: {  	p0 =	seq.s32 s10, $0x1;
	s10 =	sld [smem:$0x3FAF];
	_ =	sdelay $0x3  }
0x34: {  	[smem:$0x3FAF] =	sst s10  }
0x35: {  	s10 =	sld [smem:$0x3FAE];
	_ =	sdelay $0x3  }
0x36: {  	p1 =	seq.s32 s10, $0x1;
	s10 =	sld [smem:$0x3FAF];
	_ =	sdelay $0x3  }
0x37: {  	[smem:$0x3FAF] =	sst s10  }
0x38: {  	s10 =	sld [smem:$0x3FB0]  }
0x39: {  	_ = 	snop;
	(pc) =	sbr.ind lr, $3  }
0x3a: {  	_ = 	snop  }
0x3b: {  	_ = 	snop  }
0x3c: {  	p2 =	seq.s32 s10, $0x1;
	s10 =	sld [smem:$0x3FAF]  }
0x3d: {  	_ =	shalt  }
0x3e: {  	_ =	shalt  }
0x3f: {  	_ =	shalt  }
0x40: {  	_ =	shalt  }
0x41: {  	_ =	shalt  }
0x42: {  	_ =	shalt  }
0x43: {  	_ =	shalt  }
0x44: {  	_ =	shalt  }
0x45: {  	_ =	shalt  }
0x46: {  	_ =	shalt  }
0x47: {  	_ =	shalt  }
0x48: {  	_ =	shalt  }
0x49: {  	_ =	shalt  }
0x4a: {  	_ =	shalt  }
0x4b: {  	_ =	shalt  }
0x4c: {  	_ =	shalt  }
0x4d: {  	_ =	shalt  }
0x4e: {  	_ =	shalt  }
0x4f: {  	_ =	shalt  }
0x50: {  	_ =	shalt  }
0x51: {  	_ =	shalt  }
0x52: {  	_ =	shalt  }
0x53: {  	_ =	shalt  }
0x54: {  	_ =	shalt  }
0x55: {  	_ =	shalt  }
0x56: {  	_ =	shalt  }
0x57: {  	_ =	shalt  }
0x58: {  	_ =	shalt  }
0x59: {  	_ =	shalt  }
0x5a: {  	_ =	shalt  }
0x5b: {  	_ =	shalt  }
0x5c: {  	_ =	shalt  }
0x5d: {  	_ =	shalt  }
0x5e: {  	_ =	shalt  }
0x5f: {  	_ =	shalt  }
0x60: {  	_ =	shalt  }
0x61: {  	_ =	shalt  }
0x62: {  	_ =	shalt  }
0x63: {  	_ =	shalt  }
0x64: {  	_ =	shalt  }
0x65: {  	_ =	shalt  }
0x66: {  	_ =	shalt  }
0x67: {  	_ =	shalt  }
0x68: {  	_ =	shalt  }
0x69: {  	_ =	shalt  }
0x6a: {  	_ =	shalt  }
0x6b: {  	_ =	shalt  }
0x6c: {  	_ =	shalt  }
0x6d: {  	_ =	shalt  }
0x6e: {  	_ =	shalt  }
0x6f: {  	_ =	shalt  }
0x70: {  	_ =	shalt  }
0x71: {  	_ =	shalt  }
0x72: {  	_ =	shalt  }
0x73: {  	_ =	shalt  }
0x74: {  	_ =	shalt  }
0x75: {  	_ =	shalt  }
0x76: {  	_ =	shalt  }
0x77: {  	_ =	shalt  }
0x78: {  	_ =	shalt  }
0x79: {  	_ =	shalt  }
0x7a: {  	_ =	shalt  }
0x7b: {  	_ =	shalt  }
0x7c: {  	_ =	shalt  }
0x7d: {  	_ =	shalt  }
0x7e: {  	_ =	shalt  }
0x7f: {  	_ =	shalt  }
0x80: {  	_ =	shalt  }
0x81: {  	_ =	shalt  }
0x82: {  	_ =	shalt  }
0x83: {  	_ =	shalt  }
0x84: {  	_ =	shalt  }
0x85: {  	_ =	shalt  }
0x86: {  	_ =	shalt  }
0x87: {  	_ =	shalt  }
.Lfunc_end0:
.L_simem_size_0:
called_computation_lowered:
.L_overlay_start_0:
0x88: {  	s2 =	sld [smem:$0x3FD9]  }
0x89: {  	s3 =	sld [smem:$0x3FFE];
	_ =	sdelay $0x1  }
0x8a: {  	s1 =	srdreg.scid  }
0x8b: {  	s0 =	sand.u32 $0x1, s1  }
0x8c: {  	s14 =	sshll.u32 s0, $0xA;
	s2 =	sadd.s32 s3, s2  }
0x8d: {  	s2 =	sadd.s32 s2, s14  }
0x8e: {  	[smem:$0x3FBB] =	sst s2  }
0x8f: {  	_ = 	snop  }
0x90: {  	s2 =	sld [smem:$0x3FD0];
	_ =	sdelay $0x2  }
0x91: {  	s15 =	simm.s32 $0xA;
	s4 =	simm.s32 $0x10  }
0x92: {  	[smem:s4], [sflag:s15] =	dma.local [hbm:s2], $0x1  }
0x93: {  	_ =	swait.eq [sflag:s15], $0x1  }
0x94: {  	[sflag:s15] =	ssyncset.done $0x0  }
0x95: {  	[sflag:s15] =	ssyncadd.s32 $0xFFFFFFFF  }
0x96: {  	s16 =	sld [smem:$0x11];
	(tm) =	ssettm $0x1  }
0x97: {  	s17 =	sld [smem:$0x3FFB];
	_ =	sdelay $0x3  }
0x98: {  	_ =	strace s17  }
0x99: {  	s3 =	sld [smem:$0x3FFC];
	_ =	sdelay $0x3  }
0x9a: {  	_ =	strace s3  }
0x9b: {  	s3 =	sld [smem:$0x3FFD];
	_ =	sdelay $0x3  }
0x9c: {  	_ =	strace s3  }
0x9d: {  	_ =	strace $0x8FFFFFFF  }
0x9e: {  	s18 =	sld [smem:$0x3FDB];
	_ =	sdelay $0x1  }
0x9f: {  	s19 =	simm.s32 $_scs_section_size  }
0xa0: {  	s5 =	simm.s32 $_size__tile_overlayer_lowered;
	s6 =	simm.s32 $_tile_overlayer_lowered  }
0xa1: {  	s22 =	simm.s32 $0x1BFF;
	s21 =	sshll.u32 s6, $0x1;
	s3 =	sadd.s32 s19, s18  }
0xa2: {  	s7 =	simm.s32 $0x0;
	s20 =	sshll.u32 s5, $0x1;
	s5 =	sadd.s32 s21, s3  }
0xa3: {  	[timem:s7], [sflag:s22] =	dma.local [hbm:s5], s20  }
0xa4: {  	_ =	swait.ge [sflag:s22], s20  }
0xa5: {  	s4 =	ssub.s32 $0x0, s20;
	[sflag:s22] =	ssyncset.done $0x0  }
0xa6: {  	[sflag:s22] =	ssyncadd.s32 s4;
	_ =	sdelay $0x1  }
0xa7: {  	s23 =	simm.s32 $0x1B8B  }
0xa8: {  	_ =	swait.ge [sflag:s23], $0x1  }
0xa9: {  	[sflag:s23] =	ssyncset.done $0x0  }
0xaa: {  	s25 =	simm.s32 $0x1B8E;
	s24 =	sld [smem:$0x3FFE];
	[sflag:s23] =	ssyncadd.s32 $0xFFFFFFFF  }
0xab: {  	s26 =	simm.s32 $execute0_lowered;
	[smem:$0x3FD2] =	sst s25  }
0xac: {  	s5 =	sshll.u32 s26, $0x1;
	_ =	strace $0x80000046;
	[dreg:$0x1] =	wrdreg $0xFFFFFFFF  }
0xad: {  	s28 =	simm.s32 $_size_execute0_lowered;
	s3 =	sadd.s32 s3, s5;
	[dreg:$0x0] =	wrdreg $0x0  }
0xae: {  	s5 =	sshll.u32 s28, $0x1;
	[dreg:$0x2] =	wrdreg s3  }
0xaf: {  	[dreg:$0x3] =	wrdreg s5  }
0xb0: {  	[dreg:$0x4] =	wrdreg $0xC0  }
0xb1: {  	_ =	task [dreg:s7], $0x5FFFF  }
0xb2: {  	[dreg:$0x1] =	wrdreg $0xFFFFFFFF  }
0xb3: {  	[dreg:$0x0] =	wrdreg $0x60  }
0xb4: {  	[dreg:$0x2] =	wrdreg s24  }
0xb5: {  	[dreg:$0x3] =	wrdreg s16  }
0xb6: {  	[dreg:$0x4] =	wrdreg $0x9  }
0xb7: {  	_ =	task.clear_ibuf [dreg:s7], $0x5FFFF;
	_ =	strace $0x90000046  }
0xb8: {  	s29 =	simm.s32 $0x9;
	_ =	strace $0x80000048  }
0xb9: {  	_ =	swait.ge [sflag:s29], $0x1  }
0xba: {  	[sflag:s29] =	ssyncadd.s32 $0xFFFFFFFF  }
0xbb: {  	_ =	strace $0x90000048  }
0xbc: {  	_ =	sfence  }
0xbd: {  	s30 =	sld [smem:$0x0];
	_ =	sdelay $0x2  }
0xbe: {  	s31 =	sshll.u32 s1, $0xD;
	s1 =	sshrl.u32 s1, $0x2  }
0xbf: {  	s3 =	sand.u32 $0x4000, s31;
	s1 =	sadd.s32 s1, s30  }
0xc0: {  	s0 =	sor.u32 s3, s0;
	s1 =	sshll.u32 s1, $0x11  }
0xc1: {  	s0 =	sor.u32 s1, s0  }
0xc2: {  	s0 =	sadd.s32 $0x8F2B, s0  }
0xc3: {  	[sflag:s0] =	ssyncadd.remote.s32 $0x1  }
0xc4: {  	_ =	sfence.sel $0xFFFF  }
0xc5: {  	[dreg:$0x0] =	wrdreg $0xFFFFFFFF;
	(pc) =	sbr.abs _section_cstart, $3  }
0xc6: {  	[dreg:$0x1] =	wrdreg $0xFFFFFFFF  }
0xc7: {  	_ =	task.clear_ibuf [dreg:s7], $0x2FFFF;
	_ =	strace $0x9FFFFFFF  }
0xc8: {  	(tm) =	ssettm $0x7FFFFFFF  }
0xc9: {  	_ =	shalt  }
tec
execute0_lowered:
.L_overlay_start_1:
0x0: {  	(tag) =	ssettag $0x1  }
0x1: {  	s4 =	rddreg [dreg:$0x0]  }
0x2: {  	s6 =	rddreg [dreg:$0x1]  }
0x3: {  	s0 =	rddreg [dreg:$0x2]  }
0x4: {  	s3 =	srdreg.scid;
	s1 =	stileid.u32  }
0x5: {  	s2 =	simm.s32 $0x0;
	s3 =	sand.u32 $0x1, s3;
	s5 =	smul.u32 $0x186A0, s1  }
0x6: {  	[smem:$0x7FF] =	sst s2;
	s7 =	smul.u32 $0xC350, s3  }
0x7: {  	s10 =	simm.s32 $0x0;
	s8 =	ssub.s32 $0x2, s3;
	_ =	strace $0x80000047  }
0x8: {  	s3 =	sadd.s32 $0x18A800, s4;
	s9 =	sshrl.u32 s8, $0x1;
	s5 =	sadd.s32 s7, s5  }
0x9: {  	s29 =	ssub.s32 s8, s9;
	s7 =	simm.s32 $0x2;
	s8 =	simm.s32 $0x1388  }
0xa: {  	s9 =	simm.s32 $0x1;
	s30 =	sadd.s32 s5, s4;
	s31 =	sshrl.u32 s5, $0x3  }
0xb: {  	s4 =	smax.u32 s29, $0x1;
	s5 =	sadd.s32 $0x3E00, s30;
	s6 =	sadd.s32 s31, s6  }
.LBB2_1:
0xc: {  	s11 =	sadd.s32 $0x0, s6  }
0xd: {  	[tilespmem:s2], [sflag:$0x2] =	stream.linear.gather [hbm4b:s11+s2], $0x1388, $0x38;
	[tilespmem:$0xAFC8] =	vst v63  }
0xe: {  	_ =	swait.ge [sflag:s7], $0x1388  }
0xf: {  	[sflag:s7] =	ssyncset.done $0x0  }
0x10: {  	[sflag:s7] =	ssyncadd.s32 $0xFFFFEC78  }
0x11: {  	[tilespmem:s8], [sflag:$0x1] =	stream.indirect.gather [hbm4b:s3+s8], $0x8, s2, s8, $0xb8;
	[tilespmem:$0xAFC8] =	vst v63  }
0x12: {  	_ =	swait.ge [sflag:s9], $0x9C40  }
0x13: {  	[sflag:s9] =	ssyncset.done $0x0  }
0x14: {  	[sflag:s9] =	ssyncadd.s32 $0xFFFF63C0  }
0x15: {  	[hbm4b:s5+s2] =	stream.linear.scatter [tilespmem:s8], [sflag:$0x2], $0x9C40, $0x38;
	[tilespmem:$0xAFC8] =	vst v63  }
0x16: {  	s12 =	simm.s32 $0x271;
	_ =	swait.ge [sflag:s7], $0x9C40  }
0x17: {  	s13 =	simm.s32 $0x4E2;
	s11 =	sadd.s32 $0x1388, s5;
	[sflag:s7] =	ssyncset.done $0x0  }
.LBB2_2:
0x18: {  	s14 =	sadd.s32 s12, s6  }
0x19: {  	[sflag:s7] =	ssyncadd.s32 $0xFFFF63C0;
	s12 =	smov.u32 s13;
	s15 =	sadd.s32 $0x271, s13  }
0x1a: {  	[tilespmem:s2], [sflag:$0x2] =	stream.linear.gather [hbm4b:s14+s2], $0x1388, $0x38;
	[tilespmem:$0xAFC8] =	vst v63  }
0x1b: {  	p0 =	sne.s32 s13, $0x15F9;
	_ =	swait.ge [sflag:s7], $0x1388  }
0x1c: {  	[sflag:s7] =	ssyncset.done $0x0  }
0x1d: {  	[sflag:s7] =	ssyncadd.s32 $0xFFFFEC78  }
0x1e: {  	[tilespmem:s8], [sflag:$0x1] =	stream.indirect.gather [hbm4b:s3+s8], $0x8, s2, s8, $0xb8;
	[tilespmem:$0xAFC8] =	vst v63  }
0x1f: {  	_ =	swait.ge [sflag:s9], $0x9C40  }
.Ltmp0:
0x20: {  	[sflag:s9] =	ssyncset.done $0x0;
	(pc) =	sbr.rel @p0 .LBB2_2-.Ltmp0, $4  }
0x21: {  	[sflag:s9] =	ssyncadd.s32 $0xFFFF63C0  }
0x22: {  	[hbm4b:s11+s2] =	stream.linear.scatter [tilespmem:s8], [sflag:$0x2], $0x9C40, $0x38;
	[tilespmem:$0xAFC8] =	vst v63  }
0x23: {  	_ =	swait.ge [sflag:s7], $0x9C40  }
0x24: {  	s13 =	smov.u32 s15;
	s11 =	sadd.s32 $0x1388, s11;
	[sflag:s7] =	ssyncset.done $0x0  }
0x25: {  	s12 =	sadd.s32 s12, s6;
	[sflag:s7] =	ssyncadd.s32 $0xFFFF63C0  }
0x26: {  	[tilespmem:s2], [sflag:$0x2] =	stream.linear.gather [hbm4b:s12+s2], $0x1388, $0x38;
	[tilespmem:$0xAFC8] =	vst v63  }
0x27: {  	_ =	swait.ge [sflag:s7], $0x1388  }
0x28: {  	[sflag:s7] =	ssyncset.done $0x0  }
0x29: {  	[sflag:s7] =	ssyncadd.s32 $0xFFFFEC78  }
0x2a: {  	[tilespmem:s8], [sflag:$0x1] =	stream.indirect.gather [hbm4b:s3+s8], $0x8, s2, s8, $0xb8;
	[tilespmem:$0xAFC8] =	vst v63  }
0x2b: {  	s10 =	sadd.s32 $0x1, s10;
	_ =	swait.ge [sflag:s9], $0x9C40  }
0x2c: {  	p0 =	sne.s32 s10, s4;
	[sflag:s9] =	ssyncset.done $0x0  }
.Ltmp1:
0x2d: {  	[sflag:s9] =	ssyncadd.s32 $0xFFFF63C0;
	(pc) =	sbr.rel @p0 .LBB2_1-.Ltmp1, $4  }
0x2e: {  	[hbm4b:s11+s2] =	stream.linear.scatter [tilespmem:s8], [sflag:$0x2], $0x9C40, $0x38;
	[tilespmem:$0xAFC8] =	vst v63  }
0x2f: {  	_ =	swait.ge [sflag:s7], $0x9C40  }
0x30: {  	[sflag:s7] =	ssyncset.done $0x0  }
0x31: {  	[sflag:s7] =	ssyncadd.s32 $0xFFFF63C0  }
0x32: {  	_ =	sfence.sel $0x180000  }
0x33: {  	[bflag:$0x0] =	sbarrier.arrive $0xFFFF  }
0x34: {  	p0 =	sne.s32 s1, $0x0;
	_ =	strace $0x90000047  }
0x35: {  	s0 =	sadd.s32 @!p0 $0x100000, s0;
	[bflag:$0x2] =	sbarrier.arrive $0xFFFF  }
0x36: {  	[sflag:s0] =	ssyncadd.tile.s32 @!p0 $0x1;
	_ =	shalt  }
.Lfunc_end2:
_tile_overlayer_lowered:
.L_overlay_start_2:
0x37: {  	(tag) =	ssettag $0x2  }
0x38: {  	s0 =	rddreg [dreg:$0x0];
	s2 =	stileid.u32  }
0x39: {  	s1 =	rddreg [dreg:$0x1];
	p0 =	sne.s32 s2, $0x0  }
0x3a: {  	s3 =	rddreg [dreg:$0x2];
	[bflag:$0x3] =	sbarrier.arrive $0xFFFF;
	s2 =	simm.s32 @!p0 $0x1C02  }
0x3b: {  	[timem:s3], [sflag:s2] =	dma.local @!p0 [hbm:s0], s1  }
0x3c: {  	s0 =	simm.s32 @!p0 $0x2  }
0x3d: {  	_ =	swait.ge @!p0 [sflag:s0], s1  }
0x3e: {  	s1 =	ssub.s32 @!p0 $0x0, s1;
	[sflag:s0] =	ssyncset.done @!p0 $0x0  }
0x3f: {  	[sflag:s0] =	ssyncadd.s32 @!p0 s1  }
0x40: {  	[bflag:$0x3] =	sbarrier.arrive $0xFFFF  }
0x41: {  	_ =	shalt  }

</sc_bundles>
